<compile_context>
chip_gen: v7x
topology: tpu7x:2x2x1
jax: 0.10.2.dev20260603
libtpu: 0.0.44.dev20260713+nightly
codegen_flags: <defaults>
</compile_context>

<pallas_src>
import functools

import jax
import jax.numpy as jnp
from jax import lax
from jax.experimental import pallas as pl
from jax.experimental.pallas import tpu as pltpu
from jax.experimental.pallas import tpu_sc as plsc

_R = 2
_NB = 4
_SPLITS = ((0, 128), (128, 72))


def _emb_call(rows_pw, idx, table):
    B0, S = idx.shape
    V, D = table.shape
    mesh = plsc.VectorSubcoreMesh(core_axis_name="c", subcore_axis_name="s")
    NC = 2
    n_chunks = rows_pw // _R
    DP = 2 * D

    @functools.partial(
        pl.kernel,
        out_type=jax.ShapeDtypeStruct((B0, S, DP), jnp.float32),
        mesh=mesh,
        scratch_types=[
            pltpu.VMEM((rows_pw, S), jnp.int32),
            pltpu.VMEM((_NB, _R, S, D), jnp.float32),
            pltpu.SemaphoreType.DMA((_NB,)),
            pltpu.SemaphoreType.DMA((_NB,)),
        ],
        compiler_params=pltpu.CompilerParams(use_tc_tiling_on_sc=False),
    )
    def emb(idx_hbm, table_hbm, out_hbm, idx_v, rows_v, gsem, ssem):
        wid = lax.axis_index("s") * NC + lax.axis_index("c")
        b00 = wid * rows_pw

        def fire(cc, buf):
            for i in range(_R):
                for (o, w) in _SPLITS:
                    pltpu.async_copy(
                        table_hbm.at[idx_v.at[cc * _R + i, pl.ds(o, w)]],
                        rows_v.at[buf, i, pl.ds(o, w)],
                        gsem.at[buf],
                    )

        def wait_gathers(buf):
            for i in range(_R):
                for (o, w) in _SPLITS:
                    pltpu.make_async_copy(
                        table_hbm.at[idx_v.at[i, pl.ds(o, w)]],
                        rows_v.at[buf, i, pl.ds(o, w)],
                        gsem.at[buf],
                    ).wait()

        def fire_store(cc, buf):
            b0 = b00 + cc * _R
            pltpu.async_copy(
                rows_v.at[buf],
                out_hbm.at[pl.ds(b0, _R), :, pl.ds(0, D)],
                ssem.at[buf],
            )

        def wait_store(buf):
            pltpu.make_async_copy(
                rows_v.at[buf],
                out_hbm.at[pl.ds(0, _R), :, pl.ds(0, D)],
                ssem.at[buf],
            ).wait()

        pltpu.sync_copy(idx_hbm.at[pl.ds(b00, rows_pw)], idx_v)
        for b in range(_NB - 1):
            fire(b, b)

        def body(cc, _):
            buf = lax.rem(cc, _NB)
            nc = cc + (_NB - 1)
            nbuf = lax.rem(nc, _NB)
            wait_gathers(buf)
            fire_store(cc, buf)

            @pl.when(nc < n_chunks)
            def _():
                @pl.when(cc >= 1)
                def _():
                    wait_store(nbuf)

                fire(nc, nbuf)

            return 0

        lax.fori_loop(0, n_chunks, body, 0)
        for b in range(_NB):
            wait_store(b)

    return emb(idx, table)


def kernel(input_ids, table):
    B0, S = input_ids.shape
    NW = 32
    rows_pw = B0 // NW
    assert rows_pw % (_NB * _R) == 0
    out_p = _emb_call(rows_pw, input_ids, table)
    return out_p[..., : table.shape[1]]

# --- scband reference (transcript-rebuilt; emitter-appended) ---
"""Pipeline reference for scband-token-embedding-62105227100321 (READ-ONLY COPY).

The authoritative reference and input builder live on the scoring server;
editing this copy changes nothing except your own understanding.
"""

import jax, jax.numpy as jnp
import numpy as np

VOCAB = 100000
EMBED = 64
PAD_ID = 0


def setup_inputs(seed: int = 0) -> dict:
    key = jax.random.key(seed)
    k1, k2 = jax.random.split(key)
    input_ids = jax.random.randint(k1, (4096, 200), 0, VOCAB, dtype=jnp.int32)
    # Embedding table sized per tokenizer vocab; padding_idx row zeroed like nn.Embedding(padding_idx=PAD_ID)
    table = jax.random.normal(k2, (VOCAB, EMBED), dtype=jnp.float32)
    table = table.at[PAD_ID].set(0.0)
    return {"input_ids": input_ids, "table": table}


def reference(input_ids, table):
    # nn.Embedding forward == row gather from the table
    return jnp.take(table, input_ids, axis=0)

if __name__ == "__main__":
    import jax
    _d = setup_inputs()
    print(jax.jit(kernel)(*tuple(_d.values())))

</pallas_src>

<mosaic_0001>
#map = affine_map<(d0, d1) -> (0, 0)>
#map1 = affine_map<(d0, d1) -> (0, 0, 0)>
module attributes {stable_mosaic.version = 14 : i64} {
  func.func @emb(%arg0: i32, %arg1: i32, %arg2: memref<4096x200xi32, #tpu.memory_space<hbm>>, %arg3: memref<100000x64xf32, #tpu.memory_space<hbm>>, %arg4: memref<4096x200x128xf32, #tpu.memory_space<hbm>>, %arg5: memref<128x200xi32, #tpu.memory_space<vmem>>, %arg6: memref<4x2x200x64xf32, #tpu.memory_space<vmem>>, %arg7: memref<4x!tpu.dma_semaphore, #tpu.memory_space<semaphore_mem>>, %arg8: memref<4x!tpu.dma_semaphore, #tpu.memory_space<semaphore_mem>>) attributes {dimension_semantics = [#tpu.dimension_semantics<core_parallel>, #tpu.dimension_semantics<subcore_parallel>], iteration_bounds = array<i64: 2, 16>, scalar_prefetch = 0 : i64, scratch_operands = 4 : i64, tpu.core_type = #tpu.core_type<sc_vector_subcore>, window_params = [{transform_indices = #map}, {transform_indices = #map}, {transform_indices = #map1}]} {
    %mul3A = arith.constant 2 : i32
    %mul3A_0 = arith.muli %arg1, %mul3A : i32
    %add3A = arith.addi %mul3A_0, %arg0 : i32
    %mul3A_1 = arith.constant 128 : i32
    %mul3A_2 = arith.muli %add3A, %mul3A_1 : i32
    "tpu.region"() ({
      %run_scoped3A = tpu.sem_alloc : memref<!tpu.dma_semaphore, #tpu.memory_space<semaphore_mem>>
      %dma_start3A_287 = arith.constant 0 : i32
      %dma_start3A_288 = tpu.memref_slice %arg2[%mul3A_2, %dma_start3A_287] : memref<4096x200xi32, #tpu.memory_space<hbm>> -> memref<128x200xi32, #tpu.memory_space<hbm>>
      %dma_start3A_289 = arith.constant 0 : i32
      %dma_start3A_290 = tpu.memref_slice %arg2[%mul3A_2, %dma_start3A_289] : memref<4096x200xi32, #tpu.memory_space<hbm>> -> memref<128x200xi32, #tpu.memory_space<hbm>>
      tpu.enqueue_dma source(%dma_start3A_290 : memref<128x200xi32, #tpu.memory_space<hbm>>) target(%arg5 : memref<128x200xi32, #tpu.memory_space<vmem>>) target_semaphore(%run_scoped3A : memref<!tpu.dma_semaphore, #tpu.memory_space<semaphore_mem>>)
      %dma_wait3A_291 = arith.constant 0 : i32
      %dma_wait3A_292 = tpu.memref_slice %arg2[%mul3A_2, %dma_wait3A_291] : memref<4096x200xi32, #tpu.memory_space<hbm>> -> memref<128x200xi32, #tpu.memory_space<hbm>>
      %dma_wait3A_293 = arith.constant 0 : i32
      %dma_wait3A_294 = tpu.memref_slice %arg2[%mul3A_2, %dma_wait3A_293] : memref<4096x200xi32, #tpu.memory_space<hbm>> -> memref<128x200xi32, #tpu.memory_space<hbm>>
      tpu.wait_dma2 semaphore(%run_scoped3A : memref<!tpu.dma_semaphore, #tpu.memory_space<semaphore_mem>>) src(%dma_wait3A_294 : memref<128x200xi32, #tpu.memory_space<hbm>>) dst(%arg5 : memref<128x200xi32, #tpu.memory_space<vmem>>)
      tpu.yield
    }) : () -> ()
    %dma_start3A = arith.constant 0 : i32
    %dma_start3A_3 = arith.constant 0 : i32
    %dma_start3A_4 = arith.constant 0 : i32
    %dma_start3A_5 = arith.constant 0 : i32
    %dma_start3A_6 = arith.constant 0 : i32
    %dma_start3A_7 = arith.constant 0 : i32
    %dma_start3A_8 = tpu.memref_slice %arg6[%dma_start3A_3, %dma_start3A_4, %dma_start3A_6, %dma_start3A_7] : memref<4x2x200x64xf32, #tpu.memory_space<vmem>> -> memref<1x1x128x64xf32, #tpu.memory_space<vmem>>
    %dma_start3A_9 = tpu.memref_squeeze %dma_start3A_8 : memref<1x1x128x64xf32, #tpu.memory_space<vmem>> -> memref<128x64xf32, #tpu.memory_space<vmem>>
    %dma_start3A_10 = arith.constant 0 : i32
    %dma_start3A_11 = tpu.memref_slice %arg5[%dma_start3A, %dma_start3A_10] : memref<128x200xi32, #tpu.memory_space<vmem>> -> memref<1x128xi32, #tpu.memory_space<vmem>>
    %dma_start3A_12 = tpu.memref_squeeze %dma_start3A_11 : memref<1x128xi32, #tpu.memory_space<vmem>> -> memref<128xi32, #tpu.memory_space<vmem>>
    %dma_start3A_13 = arith.constant 0 : i32
    %dma_start3A_14 = arith.constant 0 : i32
    %dma_start3A_15 = tpu.memref_slice %arg3[%dma_start3A_13, %dma_start3A_14] : memref<100000x64xf32, #tpu.memory_space<hbm>> -> memref<100000x64xf32, #tpu.memory_space<hbm>>
    %dma_start3A_16 = tpu.memref_slice %arg7[%dma_start3A_5] : memref<4x!tpu.dma_semaphore, #tpu.memory_space<semaphore_mem>> -> memref<1x!tpu.dma_semaphore, #tpu.memory_space<semaphore_mem>>
    %dma_start3A_17 = tpu.memref_squeeze %dma_start3A_16 : memref<1x!tpu.dma_semaphore, #tpu.memory_space<semaphore_mem>> -> memref<!tpu.dma_semaphore, #tpu.memory_space<semaphore_mem>>
    tpu.enqueue_indirect_dma source(%dma_start3A_15 : memref<100000x64xf32, #tpu.memory_space<hbm>>) target(%dma_start3A_9 : memref<128x64xf32, #tpu.memory_space<vmem>>) offsets(%dma_start3A_12 : memref<128xi32, #tpu.memory_space<vmem>>) semaphore(%dma_start3A_17 : memref<!tpu.dma_semaphore, #tpu.memory_space<semaphore_mem>>)
    %dma_start3A_18 = arith.constant 0 : i32
    %dma_start3A_19 = arith.constant 0 : i32
    %dma_start3A_20 = arith.constant 0 : i32
    %dma_start3A_21 = arith.constant 0 : i32
    %dma_start3A_22 = arith.constant 128 : i32
    %dma_start3A_23 = arith.constant 0 : i32
    %dma_start3A_24 = tpu.memref_slice %arg6[%dma_start3A_19, %dma_start3A_20, %dma_start3A_22, %dma_start3A_23] : memref<4x2x200x64xf32, #tpu.memory_space<vmem>> -> memref<1x1x72x64xf32, #tpu.memory_space<vmem>>
    %dma_start3A_25 = tpu.memref_squeeze %dma_start3A_24 : memref<1x1x72x64xf32, #tpu.memory_space<vmem>> -> memref<72x64xf32, #tpu.memory_space<vmem>>
    %dma_start3A_26 = arith.constant 128 : i32
    %dma_start3A_27 = tpu.memref_slice %arg5[%dma_start3A_18, %dma_start3A_26] : memref<128x200xi32, #tpu.memory_space<vmem>> -> memref<1x72xi32, #tpu.memory_space<vmem>>
    %dma_start3A_28 = tpu.memref_squeeze %dma_start3A_27 : memref<1x72xi32, #tpu.memory_space<vmem>> -> memref<72xi32, #tpu.memory_space<vmem>>
    %dma_start3A_29 = arith.constant 0 : i32
    %dma_start3A_30 = arith.constant 0 : i32
    %dma_start3A_31 = tpu.memref_slice %arg3[%dma_start3A_29, %dma_start3A_30] : memref<100000x64xf32, #tpu.memory_space<hbm>> -> memref<100000x64xf32, #tpu.memory_space<hbm>>
    %dma_start3A_32 = tpu.memref_slice %arg7[%dma_start3A_21] : memref<4x!tpu.dma_semaphore, #tpu.memory_space<semaphore_mem>> -> memref<1x!tpu.dma_semaphore, #tpu.memory_space<semaphore_mem>>
    %dma_start3A_33 = tpu.memref_squeeze %dma_start3A_32 : memref<1x!tpu.dma_semaphore, #tpu.memory_space<semaphore_mem>> -> memref<!tpu.dma_semaphore, #tpu.memory_space<semaphore_mem>>
    tpu.enqueue_indirect_dma source(%dma_start3A_31 : memref<100000x64xf32, #tpu.memory_space<hbm>>) target(%dma_start3A_25 : memref<72x64xf32, #tpu.memory_space<vmem>>) offsets(%dma_start3A_28 : memref<72xi32, #tpu.memory_space<vmem>>) semaphore(%dma_start3A_33 : memref<!tpu.dma_semaphore, #tpu.memory_space<semaphore_mem>>)
    %dma_start3A_34 = arith.constant 1 : i32
    %dma_start3A_35 = arith.constant 0 : i32
    %dma_start3A_36 = arith.constant 1 : i32
    %dma_start3A_37 = arith.constant 0 : i32
    %dma_start3A_38 = arith.constant 0 : i32
    %dma_start3A_39 = arith.constant 0 : i32
    %dma_start3A_40 = tpu.memref_slice %arg6[%dma_start3A_35, %dma_start3A_36, %dma_start3A_38, %dma_start3A_39] : memref<4x2x200x64xf32, #tpu.memory_space<vmem>> -> memref<1x1x128x64xf32, #tpu.memory_space<vmem>>
    %dma_start3A_41 = tpu.memref_squeeze %dma_start3A_40 : memref<1x1x128x64xf32, #tpu.memory_space<vmem>> -> memref<128x64xf32, #tpu.memory_space<vmem>>
    %dma_start3A_42 = arith.constant 0 : i32
    %dma_start3A_43 = tpu.memref_slice %arg5[%dma_start3A_34, %dma_start3A_42] : memref<128x200xi32, #tpu.memory_space<vmem>> -> memref<1x128xi32, #tpu.memory_space<vmem>>
    %dma_start3A_44 = tpu.memref_squeeze %dma_start3A_43 : memref<1x128xi32, #tpu.memory_space<vmem>> -> memref<128xi32, #tpu.memory_space<vmem>>
    %dma_start3A_45 = arith.constant 0 : i32
    %dma_start3A_46 = arith.constant 0 : i32
    %dma_start3A_47 = tpu.memref_slice %arg3[%dma_start3A_45, %dma_start3A_46] : memref<100000x64xf32, #tpu.memory_space<hbm>> -> memref<100000x64xf32, #tpu.memory_space<hbm>>
    %dma_start3A_48 = tpu.memref_slice %arg7[%dma_start3A_37] : memref<4x!tpu.dma_semaphore, #tpu.memory_space<semaphore_mem>> -> memref<1x!tpu.dma_semaphore, #tpu.memory_space<semaphore_mem>>
    %dma_start3A_49 = tpu.memref_squeeze %dma_start3A_48 : memref<1x!tpu.dma_semaphore, #tpu.memory_space<semaphore_mem>> -> memref<!tpu.dma_semaphore, #tpu.memory_space<semaphore_mem>>
    tpu.enqueue_indirect_dma source(%dma_start3A_47 : memref<100000x64xf32, #tpu.memory_space<hbm>>) target(%dma_start3A_41 : memref<128x64xf32, #tpu.memory_space<vmem>>) offsets(%dma_start3A_44 : memref<128xi32, #tpu.memory_space<vmem>>) semaphore(%dma_start3A_49 : memref<!tpu.dma_semaphore, #tpu.memory_space<semaphore_mem>>)
    %dma_start3A_50 = arith.constant 1 : i32
    %dma_start3A_51 = arith.constant 0 : i32
    %dma_start3A_52 = arith.constant 1 : i32
    %dma_start3A_53 = arith.constant 0 : i32
    %dma_start3A_54 = arith.constant 128 : i32
    %dma_start3A_55 = arith.constant 0 : i32
    %dma_start3A_56 = tpu.memref_slice %arg6[%dma_start3A_51, %dma_start3A_52, %dma_start3A_54, %dma_start3A_55] : memref<4x2x200x64xf32, #tpu.memory_space<vmem>> -> memref<1x1x72x64xf32, #tpu.memory_space<vmem>>
    %dma_start3A_57 = tpu.memref_squeeze %dma_start3A_56 : memref<1x1x72x64xf32, #tpu.memory_space<vmem>> -> memref<72x64xf32, #tpu.memory_space<vmem>>
    %dma_start3A_58 = arith.constant 128 : i32
    %dma_start3A_59 = tpu.memref_slice %arg5[%dma_start3A_50, %dma_start3A_58] : memref<128x200xi32, #tpu.memory_space<vmem>> -> memref<1x72xi32, #tpu.memory_space<vmem>>
    %dma_start3A_60 = tpu.memref_squeeze %dma_start3A_59 : memref<1x72xi32, #tpu.memory_space<vmem>> -> memref<72xi32, #tpu.memory_space<vmem>>
    %dma_start3A_61 = arith.constant 0 : i32
    %dma_start3A_62 = arith.constant 0 : i32
    %dma_start3A_63 = tpu.memref_slice %arg3[%dma_start3A_61, %dma_start3A_62] : memref<100000x64xf32, #tpu.memory_space<hbm>> -> memref<100000x64xf32, #tpu.memory_space<hbm>>
    %dma_start3A_64 = tpu.memref_slice %arg7[%dma_start3A_53] : memref<4x!tpu.dma_semaphore, #tpu.memory_space<semaphore_mem>> -> memref<1x!tpu.dma_semaphore, #tpu.memory_space<semaphore_mem>>
    %dma_start3A_65 = tpu.memref_squeeze %dma_start3A_64 : memref<1x!tpu.dma_semaphore, #tpu.memory_space<semaphore_mem>> -> memref<!tpu.dma_semaphore, #tpu.memory_space<semaphore_mem>>
    tpu.enqueue_indirect_dma source(%dma_start3A_63 : memref<100000x64xf32, #tpu.memory_space<hbm>>) target(%dma_start3A_57 : memref<72x64xf32, #tpu.memory_space<vmem>>) offsets(%dma_start3A_60 : memref<72xi32, #tpu.memory_space<vmem>>) semaphore(%dma_start3A_65 : memref<!tpu.dma_semaphore, #tpu.memory_space<semaphore_mem>>)
    %dma_start3A_66 = arith.constant 2 : i32
    %dma_start3A_67 = arith.constant 1 : i32
    %dma_start3A_68 = arith.constant 0 : i32
    %dma_start3A_69 = arith.constant 1 : i32
    %dma_start3A_70 = arith.constant 0 : i32
    %dma_start3A_71 = arith.constant 0 : i32
    %dma_start3A_72 = tpu.memref_slice %arg6[%dma_start3A_67, %dma_start3A_68, %dma_start3A_70, %dma_start3A_71] : memref<4x2x200x64xf32, #tpu.memory_space<vmem>> -> memref<1x1x128x64xf32, #tpu.memory_space<vmem>>
    %dma_start3A_73 = tpu.memref_squeeze %dma_start3A_72 : memref<1x1x128x64xf32, #tpu.memory_space<vmem>> -> memref<128x64xf32, #tpu.memory_space<vmem>>
    %dma_start3A_74 = arith.constant 0 : i32
    %dma_start3A_75 = tpu.memref_slice %arg5[%dma_start3A_66, %dma_start3A_74] : memref<128x200xi32, #tpu.memory_space<vmem>> -> memref<1x128xi32, #tpu.memory_space<vmem>>
    %dma_start3A_76 = tpu.memref_squeeze %dma_start3A_75 : memref<1x128xi32, #tpu.memory_space<vmem>> -> memref<128xi32, #tpu.memory_space<vmem>>
    %dma_start3A_77 = arith.constant 0 : i32
    %dma_start3A_78 = arith.constant 0 : i32
    %dma_start3A_79 = tpu.memref_slice %arg3[%dma_start3A_77, %dma_start3A_78] : memref<100000x64xf32, #tpu.memory_space<hbm>> -> memref<100000x64xf32, #tpu.memory_space<hbm>>
    %dma_start3A_80 = tpu.memref_slice %arg7[%dma_start3A_69] : memref<4x!tpu.dma_semaphore, #tpu.memory_space<semaphore_mem>> -> memref<1x!tpu.dma_semaphore, #tpu.memory_space<semaphore_mem>>
    %dma_start3A_81 = tpu.memref_squeeze %dma_start3A_80 : memref<1x!tpu.dma_semaphore, #tpu.memory_space<semaphore_mem>> -> memref<!tpu.dma_semaphore, #tpu.memory_space<semaphore_mem>>
    tpu.enqueue_indirect_dma source(%dma_start3A_79 : memref<100000x64xf32, #tpu.memory_space<hbm>>) target(%dma_start3A_73 : memref<128x64xf32, #tpu.memory_space<vmem>>) offsets(%dma_start3A_76 : memref<128xi32, #tpu.memory_space<vmem>>) semaphore(%dma_start3A_81 : memref<!tpu.dma_semaphore, #tpu.memory_space<semaphore_mem>>)
    %dma_start3A_82 = arith.constant 2 : i32
    %dma_start3A_83 = arith.constant 1 : i32
    %dma_start3A_84 = arith.constant 0 : i32
    %dma_start3A_85 = arith.constant 1 : i32
    %dma_start3A_86 = arith.constant 128 : i32
    %dma_start3A_87 = arith.constant 0 : i32
    %dma_start3A_88 = tpu.memref_slice %arg6[%dma_start3A_83, %dma_start3A_84, %dma_start3A_86, %dma_start3A_87] : memref<4x2x200x64xf32, #tpu.memory_space<vmem>> -> memref<1x1x72x64xf32, #tpu.memory_space<vmem>>
    %dma_start3A_89 = tpu.memref_squeeze %dma_start3A_88 : memref<1x1x72x64xf32, #tpu.memory_space<vmem>> -> memref<72x64xf32, #tpu.memory_space<vmem>>
    %dma_start3A_90 = arith.constant 128 : i32
    %dma_start3A_91 = tpu.memref_slice %arg5[%dma_start3A_82, %dma_start3A_90] : memref<128x200xi32, #tpu.memory_space<vmem>> -> memref<1x72xi32, #tpu.memory_space<vmem>>
    %dma_start3A_92 = tpu.memref_squeeze %dma_start3A_91 : memref<1x72xi32, #tpu.memory_space<vmem>> -> memref<72xi32, #tpu.memory_space<vmem>>
    %dma_start3A_93 = arith.constant 0 : i32
    %dma_start3A_94 = arith.constant 0 : i32
    %dma_start3A_95 = tpu.memref_slice %arg3[%dma_start3A_93, %dma_start3A_94] : memref<100000x64xf32, #tpu.memory_space<hbm>> -> memref<100000x64xf32, #tpu.memory_space<hbm>>
    %dma_start3A_96 = tpu.memref_slice %arg7[%dma_start3A_85] : memref<4x!tpu.dma_semaphore, #tpu.memory_space<semaphore_mem>> -> memref<1x!tpu.dma_semaphore, #tpu.memory_space<semaphore_mem>>
    %dma_start3A_97 = tpu.memref_squeeze %dma_start3A_96 : memref<1x!tpu.dma_semaphore, #tpu.memory_space<semaphore_mem>> -> memref<!tpu.dma_semaphore, #tpu.memory_space<semaphore_mem>>
    tpu.enqueue_indirect_dma source(%dma_start3A_95 : memref<100000x64xf32, #tpu.memory_space<hbm>>) target(%dma_start3A_89 : memref<72x64xf32, #tpu.memory_space<vmem>>) offsets(%dma_start3A_92 : memref<72xi32, #tpu.memory_space<vmem>>) semaphore(%dma_start3A_97 : memref<!tpu.dma_semaphore, #tpu.memory_space<semaphore_mem>>)
    %dma_start3A_98 = arith.constant 3 : i32
    %dma_start3A_99 = arith.constant 1 : i32
    %dma_start3A_100 = arith.constant 1 : i32
    %dma_start3A_101 = arith.constant 1 : i32
    %dma_start3A_102 = arith.constant 0 : i32
    %dma_start3A_103 = arith.constant 0 : i32
    %dma_start3A_104 = tpu.memref_slice %arg6[%dma_start3A_99, %dma_start3A_100, %dma_start3A_102, %dma_start3A_103] : memref<4x2x200x64xf32, #tpu.memory_space<vmem>> -> memref<1x1x128x64xf32, #tpu.memory_space<vmem>>
    %dma_start3A_105 = tpu.memref_squeeze %dma_start3A_104 : memref<1x1x128x64xf32, #tpu.memory_space<vmem>> -> memref<128x64xf32, #tpu.memory_space<vmem>>
    %dma_start3A_106 = arith.constant 0 : i32
    %dma_start3A_107 = tpu.memref_slice %arg5[%dma_start3A_98, %dma_start3A_106] : memref<128x200xi32, #tpu.memory_space<vmem>> -> memref<1x128xi32, #tpu.memory_space<vmem>>
    %dma_start3A_108 = tpu.memref_squeeze %dma_start3A_107 : memref<1x128xi32, #tpu.memory_space<vmem>> -> memref<128xi32, #tpu.memory_space<vmem>>
    %dma_start3A_109 = arith.constant 0 : i32
    %dma_start3A_110 = arith.constant 0 : i32
    %dma_start3A_111 = tpu.memref_slice %arg3[%dma_start3A_109, %dma_start3A_110] : memref<100000x64xf32, #tpu.memory_space<hbm>> -> memref<100000x64xf32, #tpu.memory_space<hbm>>
    %dma_start3A_112 = tpu.memref_slice %arg7[%dma_start3A_101] : memref<4x!tpu.dma_semaphore, #tpu.memory_space<semaphore_mem>> -> memref<1x!tpu.dma_semaphore, #tpu.memory_space<semaphore_mem>>
    %dma_start3A_113 = tpu.memref_squeeze %dma_start3A_112 : memref<1x!tpu.dma_semaphore, #tpu.memory_space<semaphore_mem>> -> memref<!tpu.dma_semaphore, #tpu.memory_space<semaphore_mem>>
    tpu.enqueue_indirect_dma source(%dma_start3A_111 : memref<100000x64xf32, #tpu.memory_space<hbm>>) target(%dma_start3A_105 : memref<128x64xf32, #tpu.memory_space<vmem>>) offsets(%dma_start3A_108 : memref<128xi32, #tpu.memory_space<vmem>>) semaphore(%dma_start3A_113 : memref<!tpu.dma_semaphore, #tpu.memory_space<semaphore_mem>>)
    %dma_start3A_114 = arith.constant 3 : i32
    %dma_start3A_115 = arith.constant 1 : i32
    %dma_start3A_116 = arith.constant 1 : i32
    %dma_start3A_117 = arith.constant 1 : i32
    %dma_start3A_118 = arith.constant 128 : i32
    %dma_start3A_119 = arith.constant 0 : i32
    %dma_start3A_120 = tpu.memref_slice %arg6[%dma_start3A_115, %dma_start3A_116, %dma_start3A_118, %dma_start3A_119] : memref<4x2x200x64xf32, #tpu.memory_space<vmem>> -> memref<1x1x72x64xf32, #tpu.memory_space<vmem>>
    %dma_start3A_121 = tpu.memref_squeeze %dma_start3A_120 : memref<1x1x72x64xf32, #tpu.memory_space<vmem>> -> memref<72x64xf32, #tpu.memory_space<vmem>>
    %dma_start3A_122 = arith.constant 128 : i32
    %dma_start3A_123 = tpu.memref_slice %arg5[%dma_start3A_114, %dma_start3A_122] : memref<128x200xi32, #tpu.memory_space<vmem>> -> memref<1x72xi32, #tpu.memory_space<vmem>>
    %dma_start3A_124 = tpu.memref_squeeze %dma_start3A_123 : memref<1x72xi32, #tpu.memory_space<vmem>> -> memref<72xi32, #tpu.memory_space<vmem>>
    %dma_start3A_125 = arith.constant 0 : i32
    %dma_start3A_126 = arith.constant 0 : i32
    %dma_start3A_127 = tpu.memref_slice %arg3[%dma_start3A_125, %dma_start3A_126] : memref<100000x64xf32, #tpu.memory_space<hbm>> -> memref<100000x64xf32, #tpu.memory_space<hbm>>
    %dma_start3A_128 = tpu.memref_slice %arg7[%dma_start3A_117] : memref<4x!tpu.dma_semaphore, #tpu.memory_space<semaphore_mem>> -> memref<1x!tpu.dma_semaphore, #tpu.memory_space<semaphore_mem>>
    %dma_start3A_129 = tpu.memref_squeeze %dma_start3A_128 : memref<1x!tpu.dma_semaphore, #tpu.memory_space<semaphore_mem>> -> memref<!tpu.dma_semaphore, #tpu.memory_space<semaphore_mem>>
    tpu.enqueue_indirect_dma source(%dma_start3A_127 : memref<100000x64xf32, #tpu.memory_space<hbm>>) target(%dma_start3A_121 : memref<72x64xf32, #tpu.memory_space<vmem>>) offsets(%dma_start3A_124 : memref<72xi32, #tpu.memory_space<vmem>>) semaphore(%dma_start3A_129 : memref<!tpu.dma_semaphore, #tpu.memory_space<semaphore_mem>>)
    %dma_start3A_130 = arith.constant 4 : i32
    %dma_start3A_131 = arith.constant 2 : i32
    %dma_start3A_132 = arith.constant 0 : i32
    %dma_start3A_133 = arith.constant 2 : i32
    %dma_start3A_134 = arith.constant 0 : i32
    %dma_start3A_135 = arith.constant 0 : i32
    %dma_start3A_136 = tpu.memref_slice %arg6[%dma_start3A_131, %dma_start3A_132, %dma_start3A_134, %dma_start3A_135] : memref<4x2x200x64xf32, #tpu.memory_space<vmem>> -> memref<1x1x128x64xf32, #tpu.memory_space<vmem>>
    %dma_start3A_137 = tpu.memref_squeeze %dma_start3A_136 : memref<1x1x128x64xf32, #tpu.memory_space<vmem>> -> memref<128x64xf32, #tpu.memory_space<vmem>>
    %dma_start3A_138 = arith.constant 0 : i32
    %dma_start3A_139 = tpu.memref_slice %arg5[%dma_start3A_130, %dma_start3A_138] : memref<128x200xi32, #tpu.memory_space<vmem>> -> memref<1x128xi32, #tpu.memory_space<vmem>>
    %dma_start3A_140 = tpu.memref_squeeze %dma_start3A_139 : memref<1x128xi32, #tpu.memory_space<vmem>> -> memref<128xi32, #tpu.memory_space<vmem>>
    %dma_start3A_141 = arith.constant 0 : i32
    %dma_start3A_142 = arith.constant 0 : i32
    %dma_start3A_143 = tpu.memref_slice %arg3[%dma_start3A_141, %dma_start3A_142] : memref<100000x64xf32, #tpu.memory_space<hbm>> -> memref<100000x64xf32, #tpu.memory_space<hbm>>
    %dma_start3A_144 = tpu.memref_slice %arg7[%dma_start3A_133] : memref<4x!tpu.dma_semaphore, #tpu.memory_space<semaphore_mem>> -> memref<1x!tpu.dma_semaphore, #tpu.memory_space<semaphore_mem>>
    %dma_start3A_145 = tpu.memref_squeeze %dma_start3A_144 : memref<1x!tpu.dma_semaphore, #tpu.memory_space<semaphore_mem>> -> memref<!tpu.dma_semaphore, #tpu.memory_space<semaphore_mem>>
    tpu.enqueue_indirect_dma source(%dma_start3A_143 : memref<100000x64xf32, #tpu.memory_space<hbm>>) target(%dma_start3A_137 : memref<128x64xf32, #tpu.memory_space<vmem>>) offsets(%dma_start3A_140 : memref<128xi32, #tpu.memory_space<vmem>>) semaphore(%dma_start3A_145 : memref<!tpu.dma_semaphore, #tpu.memory_space<semaphore_mem>>)
    %dma_start3A_146 = arith.constant 4 : i32
    %dma_start3A_147 = arith.constant 2 : i32
    %dma_start3A_148 = arith.constant 0 : i32
    %dma_start3A_149 = arith.constant 2 : i32
    %dma_start3A_150 = arith.constant 128 : i32
    %dma_start3A_151 = arith.constant 0 : i32
    %dma_start3A_152 = tpu.memref_slice %arg6[%dma_start3A_147, %dma_start3A_148, %dma_start3A_150, %dma_start3A_151] : memref<4x2x200x64xf32, #tpu.memory_space<vmem>> -> memref<1x1x72x64xf32, #tpu.memory_space<vmem>>
    %dma_start3A_153 = tpu.memref_squeeze %dma_start3A_152 : memref<1x1x72x64xf32, #tpu.memory_space<vmem>> -> memref<72x64xf32, #tpu.memory_space<vmem>>
    %dma_start3A_154 = arith.constant 128 : i32
    %dma_start3A_155 = tpu.memref_slice %arg5[%dma_start3A_146, %dma_start3A_154] : memref<128x200xi32, #tpu.memory_space<vmem>> -> memref<1x72xi32, #tpu.memory_space<vmem>>
    %dma_start3A_156 = tpu.memref_squeeze %dma_start3A_155 : memref<1x72xi32, #tpu.memory_space<vmem>> -> memref<72xi32, #tpu.memory_space<vmem>>
    %dma_start3A_157 = arith.constant 0 : i32
    %dma_start3A_158 = arith.constant 0 : i32
    %dma_start3A_159 = tpu.memref_slice %arg3[%dma_start3A_157, %dma_start3A_158] : memref<100000x64xf32, #tpu.memory_space<hbm>> -> memref<100000x64xf32, #tpu.memory_space<hbm>>
    %dma_start3A_160 = tpu.memref_slice %arg7[%dma_start3A_149] : memref<4x!tpu.dma_semaphore, #tpu.memory_space<semaphore_mem>> -> memref<1x!tpu.dma_semaphore, #tpu.memory_space<semaphore_mem>>
    %dma_start3A_161 = tpu.memref_squeeze %dma_start3A_160 : memref<1x!tpu.dma_semaphore, #tpu.memory_space<semaphore_mem>> -> memref<!tpu.dma_semaphore, #tpu.memory_space<semaphore_mem>>
    tpu.enqueue_indirect_dma source(%dma_start3A_159 : memref<100000x64xf32, #tpu.memory_space<hbm>>) target(%dma_start3A_153 : memref<72x64xf32, #tpu.memory_space<vmem>>) offsets(%dma_start3A_156 : memref<72xi32, #tpu.memory_space<vmem>>) semaphore(%dma_start3A_161 : memref<!tpu.dma_semaphore, #tpu.memory_space<semaphore_mem>>)
    %dma_start3A_162 = arith.constant 5 : i32
    %dma_start3A_163 = arith.constant 2 : i32
    %dma_start3A_164 = arith.constant 1 : i32
    %dma_start3A_165 = arith.constant 2 : i32
    %dma_start3A_166 = arith.constant 0 : i32
    %dma_start3A_167 = arith.constant 0 : i32
    %dma_start3A_168 = tpu.memref_slice %arg6[%dma_start3A_163, %dma_start3A_164, %dma_start3A_166, %dma_start3A_167] : memref<4x2x200x64xf32, #tpu.memory_space<vmem>> -> memref<1x1x128x64xf32, #tpu.memory_space<vmem>>
    %dma_start3A_169 = tpu.memref_squeeze %dma_start3A_168 : memref<1x1x128x64xf32, #tpu.memory_space<vmem>> -> memref<128x64xf32, #tpu.memory_space<vmem>>
    %dma_start3A_170 = arith.constant 0 : i32
    %dma_start3A_171 = tpu.memref_slice %arg5[%dma_start3A_162, %dma_start3A_170] : memref<128x200xi32, #tpu.memory_space<vmem>> -> memref<1x128xi32, #tpu.memory_space<vmem>>
    %dma_start3A_172 = tpu.memref_squeeze %dma_start3A_171 : memref<1x128xi32, #tpu.memory_space<vmem>> -> memref<128xi32, #tpu.memory_space<vmem>>
    %dma_start3A_173 = arith.constant 0 : i32
    %dma_start3A_174 = arith.constant 0 : i32
    %dma_start3A_175 = tpu.memref_slice %arg3[%dma_start3A_173, %dma_start3A_174] : memref<100000x64xf32, #tpu.memory_space<hbm>> -> memref<100000x64xf32, #tpu.memory_space<hbm>>
    %dma_start3A_176 = tpu.memref_slice %arg7[%dma_start3A_165] : memref<4x!tpu.dma_semaphore, #tpu.memory_space<semaphore_mem>> -> memref<1x!tpu.dma_semaphore, #tpu.memory_space<semaphore_mem>>
    %dma_start3A_177 = tpu.memref_squeeze %dma_start3A_176 : memref<1x!tpu.dma_semaphore, #tpu.memory_space<semaphore_mem>> -> memref<!tpu.dma_semaphore, #tpu.memory_space<semaphore_mem>>
    tpu.enqueue_indirect_dma source(%dma_start3A_175 : memref<100000x64xf32, #tpu.memory_space<hbm>>) target(%dma_start3A_169 : memref<128x64xf32, #tpu.memory_space<vmem>>) offsets(%dma_start3A_172 : memref<128xi32, #tpu.memory_space<vmem>>) semaphore(%dma_start3A_177 : memref<!tpu.dma_semaphore, #tpu.memory_space<semaphore_mem>>)
    %dma_start3A_178 = arith.constant 5 : i32
    %dma_start3A_179 = arith.constant 2 : i32
    %dma_start3A_180 = arith.constant 1 : i32
    %dma_start3A_181 = arith.constant 2 : i32
    %dma_start3A_182 = arith.constant 128 : i32
    %dma_start3A_183 = arith.constant 0 : i32
    %dma_start3A_184 = tpu.memref_slice %arg6[%dma_start3A_179, %dma_start3A_180, %dma_start3A_182, %dma_start3A_183] : memref<4x2x200x64xf32, #tpu.memory_space<vmem>> -> memref<1x1x72x64xf32, #tpu.memory_space<vmem>>
    %dma_start3A_185 = tpu.memref_squeeze %dma_start3A_184 : memref<1x1x72x64xf32, #tpu.memory_space<vmem>> -> memref<72x64xf32, #tpu.memory_space<vmem>>
    %dma_start3A_186 = arith.constant 128 : i32
    %dma_start3A_187 = tpu.memref_slice %arg5[%dma_start3A_178, %dma_start3A_186] : memref<128x200xi32, #tpu.memory_space<vmem>> -> memref<1x72xi32, #tpu.memory_space<vmem>>
    %dma_start3A_188 = tpu.memref_squeeze %dma_start3A_187 : memref<1x72xi32, #tpu.memory_space<vmem>> -> memref<72xi32, #tpu.memory_space<vmem>>
    %dma_start3A_189 = arith.constant 0 : i32
    %dma_start3A_190 = arith.constant 0 : i32
    %dma_start3A_191 = tpu.memref_slice %arg3[%dma_start3A_189, %dma_start3A_190] : memref<100000x64xf32, #tpu.memory_space<hbm>> -> memref<100000x64xf32, #tpu.memory_space<hbm>>
    %dma_start3A_192 = tpu.memref_slice %arg7[%dma_start3A_181] : memref<4x!tpu.dma_semaphore, #tpu.memory_space<semaphore_mem>> -> memref<1x!tpu.dma_semaphore, #tpu.memory_space<semaphore_mem>>
    %dma_start3A_193 = tpu.memref_squeeze %dma_start3A_192 : memref<1x!tpu.dma_semaphore, #tpu.memory_space<semaphore_mem>> -> memref<!tpu.dma_semaphore, #tpu.memory_space<semaphore_mem>>
    tpu.enqueue_indirect_dma source(%dma_start3A_191 : memref<100000x64xf32, #tpu.memory_space<hbm>>) target(%dma_start3A_185 : memref<72x64xf32, #tpu.memory_space<vmem>>) offsets(%dma_start3A_188 : memref<72xi32, #tpu.memory_space<vmem>>) semaphore(%dma_start3A_193 : memref<!tpu.dma_semaphore, #tpu.memory_space<semaphore_mem>>)
    %scan3A = arith.constant 0 : i32
    %scan3A_194 = arith.constant 0 : i32
    %scan3A_195 = arith.constant 64 : i32
    %scan3A_196 = arith.addi %scan3A_194, %scan3A_195 : i32
    %scan3A_197 = arith.constant 1 : i32
    %scan3A_198 = scf.for %scan3A_287 = %scan3A_194 to %scan3A_196 step %scan3A_197 iter_args(%scan3A_288 = %scan3A) -> (i32)  : i32 {
      %rem3A = arith.constant 4 : i32
      %rem3A_289 = arith.remsi %scan3A_287, %rem3A : i32
      %add3A_290 = arith.constant 3 : i32
      %add3A_291 = arith.addi %scan3A_287, %add3A_290 : i32
      %rem3A_292 = arith.constant 4 : i32
      %rem3A_293 = arith.remsi %add3A_291, %rem3A_292 : i32
      %dma_wait3A_294 = arith.constant 0 : i32
      %dma_wait3A_295 = arith.constant 0 : i32
      %dma_wait3A_296 = arith.constant 0 : i32
      %dma_wait3A_297 = arith.constant 0 : i32
      %dma_wait3A_298 = tpu.memref_slice %arg6[%rem3A_289, %dma_wait3A_295, %dma_wait3A_296, %dma_wait3A_297] : memref<4x2x200x64xf32, #tpu.memory_space<vmem>> -> memref<1x1x128x64xf32, #tpu.memory_space<vmem>>
      %dma_wait3A_299 = tpu.memref_squeeze %dma_wait3A_298 : memref<1x1x128x64xf32, #tpu.memory_space<vmem>> -> memref<128x64xf32, #tpu.memory_space<vmem>>
      %dma_wait3A_300 = arith.constant 0 : i32
      %dma_wait3A_301 = tpu.memref_slice %arg5[%dma_wait3A_294, %dma_wait3A_300] : memref<128x200xi32, #tpu.memory_space<vmem>> -> memref<1x128xi32, #tpu.memory_space<vmem>>
      %dma_wait3A_302 = tpu.memref_squeeze %dma_wait3A_301 : memref<1x128xi32, #tpu.memory_space<vmem>> -> memref<128xi32, #tpu.memory_space<vmem>>
      %dma_wait3A_303 = arith.constant 0 : i32
      %dma_wait3A_304 = arith.constant 0 : i32
      %dma_wait3A_305 = tpu.memref_slice %arg3[%dma_wait3A_303, %dma_wait3A_304] : memref<100000x64xf32, #tpu.memory_space<hbm>> -> memref<100000x64xf32, #tpu.memory_space<hbm>>
      %dma_wait3A_306 = tpu.memref_slice %arg7[%rem3A_289] : memref<4x!tpu.dma_semaphore, #tpu.memory_space<semaphore_mem>> -> memref<1x!tpu.dma_semaphore, #tpu.memory_space<semaphore_mem>>
      %dma_wait3A_307 = tpu.memref_squeeze %dma_wait3A_306 : memref<1x!tpu.dma_semaphore, #tpu.memory_space<semaphore_mem>> -> memref<!tpu.dma_semaphore, #tpu.memory_space<semaphore_mem>>
      tpu.wait_indirect_dma semaphore(%dma_wait3A_307 : memref<!tpu.dma_semaphore, #tpu.memory_space<semaphore_mem>>) src(%dma_wait3A_305 : memref<100000x64xf32, #tpu.memory_space<hbm>>) dst(%dma_wait3A_299 : memref<128x64xf32, #tpu.memory_space<vmem>>)
      %dma_wait3A_308 = arith.constant 0 : i32
      %dma_wait3A_309 = arith.constant 0 : i32
      %dma_wait3A_310 = arith.constant 128 : i32
      %dma_wait3A_311 = arith.constant 0 : i32
      %dma_wait3A_312 = tpu.memref_slice %arg6[%rem3A_289, %dma_wait3A_309, %dma_wait3A_310, %dma_wait3A_311] : memref<4x2x200x64xf32, #tpu.memory_space<vmem>> -> memref<1x1x72x64xf32, #tpu.memory_space<vmem>>
      %dma_wait3A_313 = tpu.memref_squeeze %dma_wait3A_312 : memref<1x1x72x64xf32, #tpu.memory_space<vmem>> -> memref<72x64xf32, #tpu.memory_space<vmem>>
      %dma_wait3A_314 = arith.constant 128 : i32
      %dma_wait3A_315 = tpu.memref_slice %arg5[%dma_wait3A_308, %dma_wait3A_314] : memref<128x200xi32, #tpu.memory_space<vmem>> -> memref<1x72xi32, #tpu.memory_space<vmem>>
      %dma_wait3A_316 = tpu.memref_squeeze %dma_wait3A_315 : memref<1x72xi32, #tpu.memory_space<vmem>> -> memref<72xi32, #tpu.memory_space<vmem>>
      %dma_wait3A_317 = arith.constant 0 : i32
      %dma_wait3A_318 = arith.constant 0 : i32
      %dma_wait3A_319 = tpu.memref_slice %arg3[%dma_wait3A_317, %dma_wait3A_318] : memref<100000x64xf32, #tpu.memory_space<hbm>> -> memref<100000x64xf32, #tpu.memory_space<hbm>>
      %dma_wait3A_320 = tpu.memref_slice %arg7[%rem3A_289] : memref<4x!tpu.dma_semaphore, #tpu.memory_space<semaphore_mem>> -> memref<1x!tpu.dma_semaphore, #tpu.memory_space<semaphore_mem>>
      %dma_wait3A_321 = tpu.memref_squeeze %dma_wait3A_320 : memref<1x!tpu.dma_semaphore, #tpu.memory_space<semaphore_mem>> -> memref<!tpu.dma_semaphore, #tpu.memory_space<semaphore_mem>>
      tpu.wait_indirect_dma semaphore(%dma_wait3A_321 : memref<!tpu.dma_semaphore, #tpu.memory_space<semaphore_mem>>) src(%dma_wait3A_319 : memref<100000x64xf32, #tpu.memory_space<hbm>>) dst(%dma_wait3A_313 : memref<72x64xf32, #tpu.memory_space<vmem>>)
      %dma_wait3A_322 = arith.constant 1 : i32
      %dma_wait3A_323 = arith.constant 1 : i32
      %dma_wait3A_324 = arith.constant 0 : i32
      %dma_wait3A_325 = arith.constant 0 : i32
      %dma_wait3A_326 = tpu.memref_slice %arg6[%rem3A_289, %dma_wait3A_323, %dma_wait3A_324, %dma_wait3A_325] : memref<4x2x200x64xf32, #tpu.memory_space<vmem>> -> memref<1x1x128x64xf32, #tpu.memory_space<vmem>>
      %dma_wait3A_327 = tpu.memref_squeeze %dma_wait3A_326 : memref<1x1x128x64xf32, #tpu.memory_space<vmem>> -> memref<128x64xf32, #tpu.memory_space<vmem>>
      %dma_wait3A_328 = arith.constant 0 : i32
      %dma_wait3A_329 = tpu.memref_slice %arg5[%dma_wait3A_322, %dma_wait3A_328] : memref<128x200xi32, #tpu.memory_space<vmem>> -> memref<1x128xi32, #tpu.memory_space<vmem>>
      %dma_wait3A_330 = tpu.memref_squeeze %dma_wait3A_329 : memref<1x128xi32, #tpu.memory_space<vmem>> -> memref<128xi32, #tpu.memory_space<vmem>>
      %dma_wait3A_331 = arith.constant 0 : i32
      %dma_wait3A_332 = arith.constant 0 : i32
      %dma_wait3A_333 = tpu.memref_slice %arg3[%dma_wait3A_331, %dma_wait3A_332] : memref<100000x64xf32, #tpu.memory_space<hbm>> -> memref<100000x64xf32, #tpu.memory_space<hbm>>
      %dma_wait3A_334 = tpu.memref_slice %arg7[%rem3A_289] : memref<4x!tpu.dma_semaphore, #tpu.memory_space<semaphore_mem>> -> memref<1x!tpu.dma_semaphore, #tpu.memory_space<semaphore_mem>>
      %dma_wait3A_335 = tpu.memref_squeeze %dma_wait3A_334 : memref<1x!tpu.dma_semaphore, #tpu.memory_space<semaphore_mem>> -> memref<!tpu.dma_semaphore, #tpu.memory_space<semaphore_mem>>
      tpu.wait_indirect_dma semaphore(%dma_wait3A_335 : memref<!tpu.dma_semaphore, #tpu.memory_space<semaphore_mem>>) src(%dma_wait3A_333 : memref<100000x64xf32, #tpu.memory_space<hbm>>) dst(%dma_wait3A_327 : memref<128x64xf32, #tpu.memory_space<vmem>>)
      %dma_wait3A_336 = arith.constant 1 : i32
      %dma_wait3A_337 = arith.constant 1 : i32
      %dma_wait3A_338 = arith.constant 128 : i32
      %dma_wait3A_339 = arith.constant 0 : i32
      %dma_wait3A_340 = tpu.memref_slice %arg6[%rem3A_289, %dma_wait3A_337, %dma_wait3A_338, %dma_wait3A_339] : memref<4x2x200x64xf32, #tpu.memory_space<vmem>> -> memref<1x1x72x64xf32, #tpu.memory_space<vmem>>
      %dma_wait3A_341 = tpu.memref_squeeze %dma_wait3A_340 : memref<1x1x72x64xf32, #tpu.memory_space<vmem>> -> memref<72x64xf32, #tpu.memory_space<vmem>>
      %dma_wait3A_342 = arith.constant 128 : i32
      %dma_wait3A_343 = tpu.memref_slice %arg5[%dma_wait3A_336, %dma_wait3A_342] : memref<128x200xi32, #tpu.memory_space<vmem>> -> memref<1x72xi32, #tpu.memory_space<vmem>>
      %dma_wait3A_344 = tpu.memref_squeeze %dma_wait3A_343 : memref<1x72xi32, #tpu.memory_space<vmem>> -> memref<72xi32, #tpu.memory_space<vmem>>
      %dma_wait3A_345 = arith.constant 0 : i32
      %dma_wait3A_346 = arith.constant 0 : i32
      %dma_wait3A_347 = tpu.memref_slice %arg3[%dma_wait3A_345, %dma_wait3A_346] : memref<100000x64xf32, #tpu.memory_space<hbm>> -> memref<100000x64xf32, #tpu.memory_space<hbm>>
      %dma_wait3A_348 = tpu.memref_slice %arg7[%rem3A_289] : memref<4x!tpu.dma_semaphore, #tpu.memory_space<semaphore_mem>> -> memref<1x!tpu.dma_semaphore, #tpu.memory_space<semaphore_mem>>
      %dma_wait3A_349 = tpu.memref_squeeze %dma_wait3A_348 : memref<1x!tpu.dma_semaphore, #tpu.memory_space<semaphore_mem>> -> memref<!tpu.dma_semaphore, #tpu.memory_space<semaphore_mem>>
      tpu.wait_indirect_dma semaphore(%dma_wait3A_349 : memref<!tpu.dma_semaphore, #tpu.memory_space<semaphore_mem>>) src(%dma_wait3A_347 : memref<100000x64xf32, #tpu.memory_space<hbm>>) dst(%dma_wait3A_341 : memref<72x64xf32, #tpu.memory_space<vmem>>)
      %mul3A_350 = arith.constant 2 : i32
      %mul3A_351 = arith.muli %scan3A_287, %mul3A_350 : i32
      %add3A_352 = arith.addi %mul3A_2, %mul3A_351 : i32
      %dma_start3A_353 = arith.constant 0 : i32
      %dma_start3A_354 = arith.constant 0 : i32
      %dma_start3A_355 = arith.constant 0 : i32
      %dma_start3A_356 = tpu.memref_slice %arg6[%rem3A_289, %dma_start3A_353, %dma_start3A_354, %dma_start3A_355] : memref<4x2x200x64xf32, #tpu.memory_space<vmem>> -> memref<1x2x200x64xf32, #tpu.memory_space<vmem>>
      %dma_start3A_357 = tpu.memref_squeeze %dma_start3A_356 : memref<1x2x200x64xf32, #tpu.memory_space<vmem>> -> memref<2x200x64xf32, #tpu.memory_space<vmem>>
      %dma_start3A_358 = arith.constant 0 : i32
      %dma_start3A_359 = arith.constant 0 : i32
      %dma_start3A_360 = tpu.memref_slice %arg4[%add3A_352, %dma_start3A_358, %dma_start3A_359] : memref<4096x200x128xf32, #tpu.memory_space<hbm>> -> memref<2x200x64xf32, #tpu.memory_space<hbm>>
      %dma_start3A_361 = tpu.memref_slice %arg8[%rem3A_289] : memref<4x!tpu.dma_semaphore, #tpu.memory_space<semaphore_mem>> -> memref<1x!tpu.dma_semaphore, #tpu.memory_space<semaphore_mem>>
      %dma_start3A_362 = tpu.memref_squeeze %dma_start3A_361 : memref<1x!tpu.dma_semaphore, #tpu.memory_space<semaphore_mem>> -> memref<!tpu.dma_semaphore, #tpu.memory_space<semaphore_mem>>
      %dma_start3A_363 = arith.constant 0 : i32
      %dma_start3A_364 = arith.constant 0 : i32
      %dma_start3A_365 = tpu.memref_slice %arg4[%add3A_352, %dma_start3A_363, %dma_start3A_364] : memref<4096x200x128xf32, #tpu.memory_space<hbm>> -> memref<2x200x64xf32, #tpu.memory_space<hbm>>
      %dma_start3A_366 = arith.constant 0 : i32
      %dma_start3A_367 = arith.constant 0 : i32
      %dma_start3A_368 = arith.constant 0 : i32
      %dma_start3A_369 = tpu.memref_slice %arg6[%rem3A_289, %dma_start3A_366, %dma_start3A_367, %dma_start3A_368] : memref<4x2x200x64xf32, #tpu.memory_space<vmem>> -> memref<1x2x200x64xf32, #tpu.memory_space<vmem>>
      %dma_start3A_370 = tpu.memref_squeeze %dma_start3A_369 : memref<1x2x200x64xf32, #tpu.memory_space<vmem>> -> memref<2x200x64xf32, #tpu.memory_space<vmem>>
      tpu.enqueue_dma source(%dma_start3A_370 : memref<2x200x64xf32, #tpu.memory_space<vmem>>) target(%dma_start3A_365 : memref<2x200x64xf32, #tpu.memory_space<hbm>>) target_semaphore(%dma_start3A_362 : memref<!tpu.dma_semaphore, #tpu.memory_space<semaphore_mem>>)
      %lt3A = arith.constant 64 : i32
      %lt3A_371 = arith.cmpi slt, %add3A_291, %lt3A : i32
      %convert_element_type3A = arith.extui %lt3A_371 : i1 to i32
      %cond3A = arith.constant 0 : i32
      %cond3A_372 = arith.cmpi ne, %convert_element_type3A, %cond3A : i32
      scf.if %cond3A_372 {
        %ge3A = arith.constant 1 : i32
        %ge3A_374 = arith.cmpi sge, %scan3A_287, %ge3A : i32
        %convert_element_type3A_375 = arith.extui %ge3A_374 : i1 to i32
        %cond3A_376 = arith.constant 0 : i32
        %cond3A_377 = arith.cmpi ne, %convert_element_type3A_375, %cond3A_376 : i32
        scf.if %cond3A_377 {
          %dma_wait3A_446 = arith.constant 0 : i32
          %dma_wait3A_447 = arith.constant 0 : i32
          %dma_wait3A_448 = arith.constant 0 : i32
          %dma_wait3A_449 = tpu.memref_slice %arg6[%rem3A_293, %dma_wait3A_446, %dma_wait3A_447, %dma_wait3A_448] : memref<4x2x200x64xf32, #tpu.memory_space<vmem>> -> memref<1x2x200x64xf32, #tpu.memory_space<vmem>>
          %dma_wait3A_450 = tpu.memref_squeeze %dma_wait3A_449 : memref<1x2x200x64xf32, #tpu.memory_space<vmem>> -> memref<2x200x64xf32, #tpu.memory_space<vmem>>
          %dma_wait3A_451 = arith.constant 0 : i32
          %dma_wait3A_452 = arith.constant 0 : i32
          %dma_wait3A_453 = arith.constant 0 : i32
          %dma_wait3A_454 = tpu.memref_slice %arg4[%dma_wait3A_451, %dma_wait3A_452, %dma_wait3A_453] : memref<4096x200x128xf32, #tpu.memory_space<hbm>> -> memref<2x200x64xf32, #tpu.memory_space<hbm>>
          %dma_wait3A_455 = tpu.memref_slice %arg8[%rem3A_293] : memref<4x!tpu.dma_semaphore, #tpu.memory_space<semaphore_mem>> -> memref<1x!tpu.dma_semaphore, #tpu.memory_space<semaphore_mem>>
          %dma_wait3A_456 = tpu.memref_squeeze %dma_wait3A_455 : memref<1x!tpu.dma_semaphore, #tpu.memory_space<semaphore_mem>> -> memref<!tpu.dma_semaphore, #tpu.memory_space<semaphore_mem>>
          %dma_wait3A_457 = arith.constant 0 : i32
          %dma_wait3A_458 = arith.constant 0 : i32
          %dma_wait3A_459 = arith.constant 0 : i32
          %dma_wait3A_460 = tpu.memref_slice %arg4[%dma_wait3A_457, %dma_wait3A_458, %dma_wait3A_459] : memref<4096x200x128xf32, #tpu.memory_space<hbm>> -> memref<2x200x64xf32, #tpu.memory_space<hbm>>
          %dma_wait3A_461 = arith.constant 0 : i32
          %dma_wait3A_462 = arith.constant 0 : i32
          %dma_wait3A_463 = arith.constant 0 : i32
          %dma_wait3A_464 = tpu.memref_slice %arg6[%rem3A_293, %dma_wait3A_461, %dma_wait3A_462, %dma_wait3A_463] : memref<4x2x200x64xf32, #tpu.memory_space<vmem>> -> memref<1x2x200x64xf32, #tpu.memory_space<vmem>>
          %dma_wait3A_465 = tpu.memref_squeeze %dma_wait3A_464 : memref<1x2x200x64xf32, #tpu.memory_space<vmem>> -> memref<2x200x64xf32, #tpu.memory_space<vmem>>
          tpu.wait_dma2 semaphore(%dma_wait3A_456 : memref<!tpu.dma_semaphore, #tpu.memory_space<semaphore_mem>>) src(%dma_wait3A_465 : memref<2x200x64xf32, #tpu.memory_space<vmem>>) dst(%dma_wait3A_460 : memref<2x200x64xf32, #tpu.memory_space<hbm>>)
        } else {
        }
        %mul3A_378 = arith.constant 2 : i32
        %mul3A_379 = arith.muli %add3A_291, %mul3A_378 : i32
        %add3A_380 = arith.constant 0 : i32
        %add3A_381 = arith.addi %mul3A_379, %add3A_380 : i32
        %dma_start3A_382 = arith.constant 0 : i32
        %dma_start3A_383 = arith.constant 0 : i32
        %dma_start3A_384 = arith.constant 0 : i32
        %dma_start3A_385 = tpu.memref_slice %arg6[%rem3A_293, %dma_start3A_382, %dma_start3A_383, %dma_start3A_384] : memref<4x2x200x64xf32, #tpu.memory_space<vmem>> -> memref<1x1x128x64xf32, #tpu.memory_space<vmem>>
        %dma_start3A_386 = tpu.memref_squeeze %dma_start3A_385 : memref<1x1x128x64xf32, #tpu.memory_space<vmem>> -> memref<128x64xf32, #tpu.memory_space<vmem>>
        %dma_start3A_387 = arith.constant 0 : i32
        %dma_start3A_388 = tpu.memref_slice %arg5[%add3A_381, %dma_start3A_387] : memref<128x200xi32, #tpu.memory_space<vmem>> -> memref<1x128xi32, #tpu.memory_space<vmem>>
        %dma_start3A_389 = tpu.memref_squeeze %dma_start3A_388 : memref<1x128xi32, #tpu.memory_space<vmem>> -> memref<128xi32, #tpu.memory_space<vmem>>
        %dma_start3A_390 = arith.constant 0 : i32
        %dma_start3A_391 = arith.constant 0 : i32
        %dma_start3A_392 = tpu.memref_slice %arg3[%dma_start3A_390, %dma_start3A_391] : memref<100000x64xf32, #tpu.memory_space<hbm>> -> memref<100000x64xf32, #tpu.memory_space<hbm>>
        %dma_start3A_393 = tpu.memref_slice %arg7[%rem3A_293] : memref<4x!tpu.dma_semaphore, #tpu.memory_space<semaphore_mem>> -> memref<1x!tpu.dma_semaphore, #tpu.memory_space<semaphore_mem>>
        %dma_start3A_394 = tpu.memref_squeeze %dma_start3A_393 : memref<1x!tpu.dma_semaphore, #tpu.memory_space<semaphore_mem>> -> memref<!tpu.dma_semaphore, #tpu.memory_space<semaphore_mem>>
        tpu.enqueue_indirect_dma source(%dma_start3A_392 : memref<100000x64xf32, #tpu.memory_space<hbm>>) target(%dma_start3A_386 : memref<128x64xf32, #tpu.memory_space<vmem>>) offsets(%dma_start3A_389 : memref<128xi32, #tpu.memory_space<vmem>>) semaphore(%dma_start3A_394 : memref<!tpu.dma_semaphore, #tpu.memory_space<semaphore_mem>>)
        %mul3A_395 = arith.constant 2 : i32
        %mul3A_396 = arith.muli %add3A_291, %mul3A_395 : i32
        %add3A_397 = arith.constant 0 : i32
        %add3A_398 = arith.addi %mul3A_396, %add3A_397 : i32
        %dma_start3A_399 = arith.constant 0 : i32
        %dma_start3A_400 = arith.constant 128 : i32
        %dma_start3A_401 = arith.constant 0 : i32
        %dma_start3A_402 = tpu.memref_slice %arg6[%rem3A_293, %dma_start3A_399, %dma_start3A_400, %dma_start3A_401] : memref<4x2x200x64xf32, #tpu.memory_space<vmem>> -> memref<1x1x72x64xf32, #tpu.memory_space<vmem>>
        %dma_start3A_403 = tpu.memref_squeeze %dma_start3A_402 : memref<1x1x72x64xf32, #tpu.memory_space<vmem>> -> memref<72x64xf32, #tpu.memory_space<vmem>>
        %dma_start3A_404 = arith.constant 128 : i32
        %dma_start3A_405 = tpu.memref_slice %arg5[%add3A_398, %dma_start3A_404] : memref<128x200xi32, #tpu.memory_space<vmem>> -> memref<1x72xi32, #tpu.memory_space<vmem>>
        %dma_start3A_406 = tpu.memref_squeeze %dma_start3A_405 : memref<1x72xi32, #tpu.memory_space<vmem>> -> memref<72xi32, #tpu.memory_space<vmem>>
        %dma_start3A_407 = arith.constant 0 : i32
        %dma_start3A_408 = arith.constant 0 : i32
        %dma_start3A_409 = tpu.memref_slice %arg3[%dma_start3A_407, %dma_start3A_408] : memref<100000x64xf32, #tpu.memory_space<hbm>> -> memref<100000x64xf32, #tpu.memory_space<hbm>>
        %dma_start3A_410 = tpu.memref_slice %arg7[%rem3A_293] : memref<4x!tpu.dma_semaphore, #tpu.memory_space<semaphore_mem>> -> memref<1x!tpu.dma_semaphore, #tpu.memory_space<semaphore_mem>>
        %dma_start3A_411 = tpu.memref_squeeze %dma_start3A_410 : memref<1x!tpu.dma_semaphore, #tpu.memory_space<semaphore_mem>> -> memref<!tpu.dma_semaphore, #tpu.memory_space<semaphore_mem>>
        tpu.enqueue_indirect_dma source(%dma_start3A_409 : memref<100000x64xf32, #tpu.memory_space<hbm>>) target(%dma_start3A_403 : memref<72x64xf32, #tpu.memory_space<vmem>>) offsets(%dma_start3A_406 : memref<72xi32, #tpu.memory_space<vmem>>) semaphore(%dma_start3A_411 : memref<!tpu.dma_semaphore, #tpu.memory_space<semaphore_mem>>)
        %mul3A_412 = arith.constant 2 : i32
        %mul3A_413 = arith.muli %add3A_291, %mul3A_412 : i32
        %add3A_414 = arith.constant 1 : i32
        %add3A_415 = arith.addi %mul3A_413, %add3A_414 : i32
        %dma_start3A_416 = arith.constant 1 : i32
        %dma_start3A_417 = arith.constant 0 : i32
        %dma_start3A_418 = arith.constant 0 : i32
        %dma_start3A_419 = tpu.memref_slice %arg6[%rem3A_293, %dma_start3A_416, %dma_start3A_417, %dma_start3A_418] : memref<4x2x200x64xf32, #tpu.memory_space<vmem>> -> memref<1x1x128x64xf32, #tpu.memory_space<vmem>>
        %dma_start3A_420 = tpu.memref_squeeze %dma_start3A_419 : memref<1x1x128x64xf32, #tpu.memory_space<vmem>> -> memref<128x64xf32, #tpu.memory_space<vmem>>
        %dma_start3A_421 = arith.constant 0 : i32
        %dma_start3A_422 = tpu.memref_slice %arg5[%add3A_415, %dma_start3A_421] : memref<128x200xi32, #tpu.memory_space<vmem>> -> memref<1x128xi32, #tpu.memory_space<vmem>>
        %dma_start3A_423 = tpu.memref_squeeze %dma_start3A_422 : memref<1x128xi32, #tpu.memory_space<vmem>> -> memref<128xi32, #tpu.memory_space<vmem>>
        %dma_start3A_424 = arith.constant 0 : i32
        %dma_start3A_425 = arith.constant 0 : i32
        %dma_start3A_426 = tpu.memref_slice %arg3[%dma_start3A_424, %dma_start3A_425] : memref<100000x64xf32, #tpu.memory_space<hbm>> -> memref<100000x64xf32, #tpu.memory_space<hbm>>
        %dma_start3A_427 = tpu.memref_slice %arg7[%rem3A_293] : memref<4x!tpu.dma_semaphore, #tpu.memory_space<semaphore_mem>> -> memref<1x!tpu.dma_semaphore, #tpu.memory_space<semaphore_mem>>
        %dma_start3A_428 = tpu.memref_squeeze %dma_start3A_427 : memref<1x!tpu.dma_semaphore, #tpu.memory_space<semaphore_mem>> -> memref<!tpu.dma_semaphore, #tpu.memory_space<semaphore_mem>>
        tpu.enqueue_indirect_dma source(%dma_start3A_426 : memref<100000x64xf32, #tpu.memory_space<hbm>>) target(%dma_start3A_420 : memref<128x64xf32, #tpu.memory_space<vmem>>) offsets(%dma_start3A_423 : memref<128xi32, #tpu.memory_space<vmem>>) semaphore(%dma_start3A_428 : memref<!tpu.dma_semaphore, #tpu.memory_space<semaphore_mem>>)
        %mul3A_429 = arith.constant 2 : i32
        %mul3A_430 = arith.muli %add3A_291, %mul3A_429 : i32
        %add3A_431 = arith.constant 1 : i32
        %add3A_432 = arith.addi %mul3A_430, %add3A_431 : i32
        %dma_start3A_433 = arith.constant 1 : i32
        %dma_start3A_434 = arith.constant 128 : i32
        %dma_start3A_435 = arith.constant 0 : i32
        %dma_start3A_436 = tpu.memref_slice %arg6[%rem3A_293, %dma_start3A_433, %dma_start3A_434, %dma_start3A_435] : memref<4x2x200x64xf32, #tpu.memory_space<vmem>> -> memref<1x1x72x64xf32, #tpu.memory_space<vmem>>
        %dma_start3A_437 = tpu.memref_squeeze %dma_start3A_436 : memref<1x1x72x64xf32, #tpu.memory_space<vmem>> -> memref<72x64xf32, #tpu.memory_space<vmem>>
        %dma_start3A_438 = arith.constant 128 : i32
        %dma_start3A_439 = tpu.memref_slice %arg5[%add3A_432, %dma_start3A_438] : memref<128x200xi32, #tpu.memory_space<vmem>> -> memref<1x72xi32, #tpu.memory_space<vmem>>
        %dma_start3A_440 = tpu.memref_squeeze %dma_start3A_439 : memref<1x72xi32, #tpu.memory_space<vmem>> -> memref<72xi32, #tpu.memory_space<vmem>>
        %dma_start3A_441 = arith.constant 0 : i32
        %dma_start3A_442 = arith.constant 0 : i32
        %dma_start3A_443 = tpu.memref_slice %arg3[%dma_start3A_441, %dma_start3A_442] : memref<100000x64xf32, #tpu.memory_space<hbm>> -> memref<100000x64xf32, #tpu.memory_space<hbm>>
        %dma_start3A_444 = tpu.memref_slice %arg7[%rem3A_293] : memref<4x!tpu.dma_semaphore, #tpu.memory_space<semaphore_mem>> -> memref<1x!tpu.dma_semaphore, #tpu.memory_space<semaphore_mem>>
        %dma_start3A_445 = tpu.memref_squeeze %dma_start3A_444 : memref<1x!tpu.dma_semaphore, #tpu.memory_space<semaphore_mem>> -> memref<!tpu.dma_semaphore, #tpu.memory_space<semaphore_mem>>
        tpu.enqueue_indirect_dma source(%dma_start3A_443 : memref<100000x64xf32, #tpu.memory_space<hbm>>) target(%dma_start3A_437 : memref<72x64xf32, #tpu.memory_space<vmem>>) offsets(%dma_start3A_440 : memref<72xi32, #tpu.memory_space<vmem>>) semaphore(%dma_start3A_445 : memref<!tpu.dma_semaphore, #tpu.memory_space<semaphore_mem>>)
      } else {
      }
      %scan3A_373 = arith.constant 0 : i32
      scf.yield %scan3A_373 : i32
    }
    %scan3A_199 = arith.constant 64 : i32
    %dma_wait3A = arith.constant 0 : i32
    %dma_wait3A_200 = arith.constant 0 : i32
    %dma_wait3A_201 = arith.constant 0 : i32
    %dma_wait3A_202 = arith.constant 0 : i32
    %dma_wait3A_203 = arith.constant 0 : i32
    %dma_wait3A_204 = tpu.memref_slice %arg6[%dma_wait3A, %dma_wait3A_201, %dma_wait3A_202, %dma_wait3A_203] : memref<4x2x200x64xf32, #tpu.memory_space<vmem>> -> memref<1x2x200x64xf32, #tpu.memory_space<vmem>>
    %dma_wait3A_205 = tpu.memref_squeeze %dma_wait3A_204 : memref<1x2x200x64xf32, #tpu.memory_space<vmem>> -> memref<2x200x64xf32, #tpu.memory_space<vmem>>
    %dma_wait3A_206 = arith.constant 0 : i32
    %dma_wait3A_207 = arith.constant 0 : i32
    %dma_wait3A_208 = arith.constant 0 : i32
    %dma_wait3A_209 = tpu.memref_slice %arg4[%dma_wait3A_206, %dma_wait3A_207, %dma_wait3A_208] : memref<4096x200x128xf32, #tpu.memory_space<hbm>> -> memref<2x200x64xf32, #tpu.memory_space<hbm>>
    %dma_wait3A_210 = tpu.memref_slice %arg8[%dma_wait3A_200] : memref<4x!tpu.dma_semaphore, #tpu.memory_space<semaphore_mem>> -> memref<1x!tpu.dma_semaphore, #tpu.memory_space<semaphore_mem>>
    %dma_wait3A_211 = tpu.memref_squeeze %dma_wait3A_210 : memref<1x!tpu.dma_semaphore, #tpu.memory_space<semaphore_mem>> -> memref<!tpu.dma_semaphore, #tpu.memory_space<semaphore_mem>>
    %dma_wait3A_212 = arith.constant 0 : i32
    %dma_wait3A_213 = arith.constant 0 : i32
    %dma_wait3A_214 = arith.constant 0 : i32
    %dma_wait3A_215 = tpu.memref_slice %arg4[%dma_wait3A_212, %dma_wait3A_213, %dma_wait3A_214] : memref<4096x200x128xf32, #tpu.memory_space<hbm>> -> memref<2x200x64xf32, #tpu.memory_space<hbm>>
    %dma_wait3A_216 = arith.constant 0 : i32
    %dma_wait3A_217 = arith.constant 0 : i32
    %dma_wait3A_218 = arith.constant 0 : i32
    %dma_wait3A_219 = tpu.memref_slice %arg6[%dma_wait3A, %dma_wait3A_216, %dma_wait3A_217, %dma_wait3A_218] : memref<4x2x200x64xf32, #tpu.memory_space<vmem>> -> memref<1x2x200x64xf32, #tpu.memory_space<vmem>>
    %dma_wait3A_220 = tpu.memref_squeeze %dma_wait3A_219 : memref<1x2x200x64xf32, #tpu.memory_space<vmem>> -> memref<2x200x64xf32, #tpu.memory_space<vmem>>
    tpu.wait_dma2 semaphore(%dma_wait3A_211 : memref<!tpu.dma_semaphore, #tpu.memory_space<semaphore_mem>>) src(%dma_wait3A_220 : memref<2x200x64xf32, #tpu.memory_space<vmem>>) dst(%dma_wait3A_215 : memref<2x200x64xf32, #tpu.memory_space<hbm>>)
    %dma_wait3A_221 = arith.constant 1 : i32
    %dma_wait3A_222 = arith.constant 1 : i32
    %dma_wait3A_223 = arith.constant 0 : i32
    %dma_wait3A_224 = arith.constant 0 : i32
    %dma_wait3A_225 = arith.constant 0 : i32
    %dma_wait3A_226 = tpu.memref_slice %arg6[%dma_wait3A_221, %dma_wait3A_223, %dma_wait3A_224, %dma_wait3A_225] : memref<4x2x200x64xf32, #tpu.memory_space<vmem>> -> memref<1x2x200x64xf32, #tpu.memory_space<vmem>>
    %dma_wait3A_227 = tpu.memref_squeeze %dma_wait3A_226 : memref<1x2x200x64xf32, #tpu.memory_space<vmem>> -> memref<2x200x64xf32, #tpu.memory_space<vmem>>
    %dma_wait3A_228 = arith.constant 0 : i32
    %dma_wait3A_229 = arith.constant 0 : i32
    %dma_wait3A_230 = arith.constant 0 : i32
    %dma_wait3A_231 = tpu.memref_slice %arg4[%dma_wait3A_228, %dma_wait3A_229, %dma_wait3A_230] : memref<4096x200x128xf32, #tpu.memory_space<hbm>> -> memref<2x200x64xf32, #tpu.memory_space<hbm>>
    %dma_wait3A_232 = tpu.memref_slice %arg8[%dma_wait3A_222] : memref<4x!tpu.dma_semaphore, #tpu.memory_space<semaphore_mem>> -> memref<1x!tpu.dma_semaphore, #tpu.memory_space<semaphore_mem>>
    %dma_wait3A_233 = tpu.memref_squeeze %dma_wait3A_232 : memref<1x!tpu.dma_semaphore, #tpu.memory_space<semaphore_mem>> -> memref<!tpu.dma_semaphore, #tpu.memory_space<semaphore_mem>>
    %dma_wait3A_234 = arith.constant 0 : i32
    %dma_wait3A_235 = arith.constant 0 : i32
    %dma_wait3A_236 = arith.constant 0 : i32
    %dma_wait3A_237 = tpu.memref_slice %arg4[%dma_wait3A_234, %dma_wait3A_235, %dma_wait3A_236] : memref<4096x200x128xf32, #tpu.memory_space<hbm>> -> memref<2x200x64xf32, #tpu.memory_space<hbm>>
    %dma_wait3A_238 = arith.constant 0 : i32
    %dma_wait3A_239 = arith.constant 0 : i32
    %dma_wait3A_240 = arith.constant 0 : i32
    %dma_wait3A_241 = tpu.memref_slice %arg6[%dma_wait3A_221, %dma_wait3A_238, %dma_wait3A_239, %dma_wait3A_240] : memref<4x2x200x64xf32, #tpu.memory_space<vmem>> -> memref<1x2x200x64xf32, #tpu.memory_space<vmem>>
    %dma_wait3A_242 = tpu.memref_squeeze %dma_wait3A_241 : memref<1x2x200x64xf32, #tpu.memory_space<vmem>> -> memref<2x200x64xf32, #tpu.memory_space<vmem>>
    tpu.wait_dma2 semaphore(%dma_wait3A_233 : memref<!tpu.dma_semaphore, #tpu.memory_space<semaphore_mem>>) src(%dma_wait3A_242 : memref<2x200x64xf32, #tpu.memory_space<vmem>>) dst(%dma_wait3A_237 : memref<2x200x64xf32, #tpu.memory_space<hbm>>)
    %dma_wait3A_243 = arith.constant 2 : i32
    %dma_wait3A_244 = arith.constant 2 : i32
    %dma_wait3A_245 = arith.constant 0 : i32
    %dma_wait3A_246 = arith.constant 0 : i32
    %dma_wait3A_247 = arith.constant 0 : i32
    %dma_wait3A_248 = tpu.memref_slice %arg6[%dma_wait3A_243, %dma_wait3A_245, %dma_wait3A_246, %dma_wait3A_247] : memref<4x2x200x64xf32, #tpu.memory_space<vmem>> -> memref<1x2x200x64xf32, #tpu.memory_space<vmem>>
    %dma_wait3A_249 = tpu.memref_squeeze %dma_wait3A_248 : memref<1x2x200x64xf32, #tpu.memory_space<vmem>> -> memref<2x200x64xf32, #tpu.memory_space<vmem>>
    %dma_wait3A_250 = arith.constant 0 : i32
    %dma_wait3A_251 = arith.constant 0 : i32
    %dma_wait3A_252 = arith.constant 0 : i32
    %dma_wait3A_253 = tpu.memref_slice %arg4[%dma_wait3A_250, %dma_wait3A_251, %dma_wait3A_252] : memref<4096x200x128xf32, #tpu.memory_space<hbm>> -> memref<2x200x64xf32, #tpu.memory_space<hbm>>
    %dma_wait3A_254 = tpu.memref_slice %arg8[%dma_wait3A_244] : memref<4x!tpu.dma_semaphore, #tpu.memory_space<semaphore_mem>> -> memref<1x!tpu.dma_semaphore, #tpu.memory_space<semaphore_mem>>
    %dma_wait3A_255 = tpu.memref_squeeze %dma_wait3A_254 : memref<1x!tpu.dma_semaphore, #tpu.memory_space<semaphore_mem>> -> memref<!tpu.dma_semaphore, #tpu.memory_space<semaphore_mem>>
    %dma_wait3A_256 = arith.constant 0 : i32
    %dma_wait3A_257 = arith.constant 0 : i32
    %dma_wait3A_258 = arith.constant 0 : i32
    %dma_wait3A_259 = tpu.memref_slice %arg4[%dma_wait3A_256, %dma_wait3A_257, %dma_wait3A_258] : memref<4096x200x128xf32, #tpu.memory_space<hbm>> -> memref<2x200x64xf32, #tpu.memory_space<hbm>>
    %dma_wait3A_260 = arith.constant 0 : i32
    %dma_wait3A_261 = arith.constant 0 : i32
    %dma_wait3A_262 = arith.constant 0 : i32
    %dma_wait3A_263 = tpu.memref_slice %arg6[%dma_wait3A_243, %dma_wait3A_260, %dma_wait3A_261, %dma_wait3A_262] : memref<4x2x200x64xf32, #tpu.memory_space<vmem>> -> memref<1x2x200x64xf32, #tpu.memory_space<vmem>>
    %dma_wait3A_264 = tpu.memref_squeeze %dma_wait3A_263 : memref<1x2x200x64xf32, #tpu.memory_space<vmem>> -> memref<2x200x64xf32, #tpu.memory_space<vmem>>
    tpu.wait_dma2 semaphore(%dma_wait3A_255 : memref<!tpu.dma_semaphore, #tpu.memory_space<semaphore_mem>>) src(%dma_wait3A_264 : memref<2x200x64xf32, #tpu.memory_space<vmem>>) dst(%dma_wait3A_259 : memref<2x200x64xf32, #tpu.memory_space<hbm>>)
    %dma_wait3A_265 = arith.constant 3 : i32
    %dma_wait3A_266 = arith.constant 3 : i32
    %dma_wait3A_267 = arith.constant 0 : i32
    %dma_wait3A_268 = arith.constant 0 : i32
    %dma_wait3A_269 = arith.constant 0 : i32
    %dma_wait3A_270 = tpu.memref_slice %arg6[%dma_wait3A_265, %dma_wait3A_267, %dma_wait3A_268, %dma_wait3A_269] : memref<4x2x200x64xf32, #tpu.memory_space<vmem>> -> memref<1x2x200x64xf32, #tpu.memory_space<vmem>>
    %dma_wait3A_271 = tpu.memref_squeeze %dma_wait3A_270 : memref<1x2x200x64xf32, #tpu.memory_space<vmem>> -> memref<2x200x64xf32, #tpu.memory_space<vmem>>
    %dma_wait3A_272 = arith.constant 0 : i32
    %dma_wait3A_273 = arith.constant 0 : i32
    %dma_wait3A_274 = arith.constant 0 : i32
    %dma_wait3A_275 = tpu.memref_slice %arg4[%dma_wait3A_272, %dma_wait3A_273, %dma_wait3A_274] : memref<4096x200x128xf32, #tpu.memory_space<hbm>> -> memref<2x200x64xf32, #tpu.memory_space<hbm>>
    %dma_wait3A_276 = tpu.memref_slice %arg8[%dma_wait3A_266] : memref<4x!tpu.dma_semaphore, #tpu.memory_space<semaphore_mem>> -> memref<1x!tpu.dma_semaphore, #tpu.memory_space<semaphore_mem>>
    %dma_wait3A_277 = tpu.memref_squeeze %dma_wait3A_276 : memref<1x!tpu.dma_semaphore, #tpu.memory_space<semaphore_mem>> -> memref<!tpu.dma_semaphore, #tpu.memory_space<semaphore_mem>>
    %dma_wait3A_278 = arith.constant 0 : i32
    %dma_wait3A_279 = arith.constant 0 : i32
    %dma_wait3A_280 = arith.constant 0 : i32
    %dma_wait3A_281 = tpu.memref_slice %arg4[%dma_wait3A_278, %dma_wait3A_279, %dma_wait3A_280] : memref<4096x200x128xf32, #tpu.memory_space<hbm>> -> memref<2x200x64xf32, #tpu.memory_space<hbm>>
    %dma_wait3A_282 = arith.constant 0 : i32
    %dma_wait3A_283 = arith.constant 0 : i32
    %dma_wait3A_284 = arith.constant 0 : i32
    %dma_wait3A_285 = tpu.memref_slice %arg6[%dma_wait3A_265, %dma_wait3A_282, %dma_wait3A_283, %dma_wait3A_284] : memref<4x2x200x64xf32, #tpu.memory_space<vmem>> -> memref<1x2x200x64xf32, #tpu.memory_space<vmem>>
    %dma_wait3A_286 = tpu.memref_squeeze %dma_wait3A_285 : memref<1x2x200x64xf32, #tpu.memory_space<vmem>> -> memref<2x200x64xf32, #tpu.memory_space<vmem>>
    tpu.wait_dma2 semaphore(%dma_wait3A_277 : memref<!tpu.dma_semaphore, #tpu.memory_space<semaphore_mem>>) src(%dma_wait3A_286 : memref<2x200x64xf32, #tpu.memory_space<vmem>>) dst(%dma_wait3A_281 : memref<2x200x64xf32, #tpu.memory_space<hbm>>)
    return
  }
}

</mosaic_0001>

<sc_bundles>
// kernel: kernel.3.cloned.1.call-start
scs
__scs_entry_jumppad:
0x0: {  	(pc) =	sbr.rel $0x88, $3  }
0x1: {  	(tag) =	ssettag $0x0;
	lr =	simm.s32 $0x1  }
0x2: {  	[smem:$0x3F9F] =	sst lr;
	_ =	strace $0xD0000000  }
0x3: {  	_ = 	snop  }
0x4: {  	_ = 	snop  }
0x5: {  	_ = 	snop  }
0x6: {  	_ = 	snop  }
0x7: {  	_ = 	snop  }
__scs_overlays_trampoline_lowered:
0x8: {  	[smem:$0x3FAE] =	sst s0  }
0x9: {  	[smem:$0x3FAF] =	sst s1  }
0xa: {  	[smem:$0x3FB0] =	sst s2  }
0xb: {  	[smem:$0x3FB1] =	sst s3  }
0xc: {  	[smem:$0x3FB2] =	sst s4  }
0xd: {  	[smem:$0x3FB3] =	sst s5  }
0xe: {  	[smem:$0x3FB4] =	sst s6  }
0xf: {  	[smem:$0x3FB5] =	sst s7  }
0x10: {  	[smem:$0x3FB6] =	sst s8  }
0x11: {  	[smem:$0x3FB7] =	sst s9;
	s0 =	simm.s32 @!p0 $0x0  }
0x12: {  	s1 =	sld [smem:$0x3F9D];
	s0 =	simm.s32 @p0 $0x1  }
0x13: {  	[smem:$0x3FB8] =	sst s0;
	s0 =	simm.s32 @!p1 $0x0  }
0x14: {  	s2 =	sld [smem:$0x3F9C];
	s0 =	simm.s32 @p1 $0x1  }
0x15: {  	[smem:$0x3FB9] =	sst s0;
	s0 =	simm.s32 @!p2 $0x0  }
0x16: {  	s3 =	sld [smem:$0x3FDB];
	s0 =	simm.s32 @p2 $0x1  }
0x17: {  	s4 =	simm.s32 $0x1BF5;
	[smem:$0x3FBB] =	sst s0  }
0x18: {  	s0 =	sld [smem:$0x3F9E];
	_ =	swait.ge [sflag:s4], $0x0  }
0x19: {  	s7 =	sld [smem:$0x3F9F]  }
0x1a: {  	s8 =	sadd.s32 $0xFFFFE003, lr  }
0x1b: {  	s9 =	sadd.s32 $0xFFFFFEF7, lr;
	s5 =	simm.s32 $0xFFFFFFFF;
	p2 =	slt.u32 s8, $0xFFFFF086  }
0x1c: {  	p1 =	slt.u32 s9, $0xF7A;
	s5 =	simm.s32 @!p2 $0x0  }
0x1d: {  	s5 =	simm.s32 @p1 $0x1;
	p0 =	seq.s32 s7, s2  }
0x1e: {  	s7 =	smul.u32 @!p0 $0xF7A, s2;
	p2 =	seq.s32 @!p0 s5, $0x0  }
0x1f: {  	s9 =	smul.u32 $0xF7A, s1;
	s8 =	simm.s32 @!p0 $0x1BF5;
	p2 =	por !p2, p0  }
0x20: {  	[sflag:s8] =	ssyncset.s32 @!p0 $0xFFFFF086;
	s6 =	sadd.s32 @!p0 s3, s7;
	s7 =	simm.s32 @!p0 $0x108  }
0x21: {  	s3 =	sadd.s32 s3, s9;
	s6 =	sadd.s32 @!p0 $0x88, s6;
	s7 =	simm.s32 @p2 $0x1082  }
0x22: {  	[simem:s7], [sflag:s8] =	dma.local @!p0 [hbm:s6], $0xF7A  }
0x23: {  	s9 =	sor.u32 $0xD0000000, s2;
	s6 =	simm.s32 $0x108;
	_ =	swait.ge @!p0 [sflag:s8], $0x0  }
0x24: {  	s3 =	sadd.s32 $0x88, s3;
	s6 =	simm.s32 @!p1 $0x1082;
	[sflag:s4] =	ssyncset.s32 $0xFFFFF086  }
0x25: {  	[simem:s6], [sflag:s4] =	dma.local [hbm:s3], $0xF7A  }
0x26: {  	[smem:$0x3F9F] =	sst s1;
	(tag) =	ssettag s2;
	_ =	strace s9  }
0x27: {  	s1 =	sld [smem:$0x3FAF]  }
0x28: {  	s2 =	sld [smem:$0x3FB0]  }
0x29: {  	s4 =	sld [smem:$0x3FB2]  }
0x2a: {  	p0 =	seq.s32 s5, $0x0;
	s5 =	sld [smem:$0x3FB3]  }
0x2b: {  	s6 =	sld [smem:$0x3FB4]  }
0x2c: {  	s7 =	sld [smem:$0x3FB5]  }
0x2d: {  	s3 =	simm.s32 $0x108;
	s8 =	sld [smem:$0x3FB6]  }
0x2e: {  	s3 =	simm.s32 @!p0 $0x1082;
	s9 =	sld [smem:$0x3FB7]  }
0x2f: {  	lr =	sadd.s32 s0, s3;
	s0 =	sld [smem:$0x3FAE]  }
0x30: {  	s3 =	sld [smem:$0x3FB1]  }
0x31: {  	[smem:$0x3FBA] =	sst s10  }
0x32: {  	s10 =	sld [smem:$0x3FB8];
	_ =	sdelay $0x3  }
0x33: {  	p0 =	seq.s32 s10, $0x1;
	s10 =	sld [smem:$0x3FBA];
	_ =	sdelay $0x3  }
0x34: {  	[smem:$0x3FBA] =	sst s10  }
0x35: {  	s10 =	sld [smem:$0x3FB9];
	_ =	sdelay $0x3  }
0x36: {  	p1 =	seq.s32 s10, $0x1;
	s10 =	sld [smem:$0x3FBA];
	_ =	sdelay $0x3  }
0x37: {  	[smem:$0x3FBA] =	sst s10  }
0x38: {  	s10 =	sld [smem:$0x3FBB]  }
0x39: {  	_ = 	snop;
	(pc) =	sbr.ind lr, $3  }
0x3a: {  	_ = 	snop  }
0x3b: {  	_ = 	snop  }
0x3c: {  	p2 =	seq.s32 s10, $0x1;
	s10 =	sld [smem:$0x3FBA]  }
0x3d: {  	_ =	shalt  }
0x3e: {  	_ =	shalt  }
0x3f: {  	_ =	shalt  }
0x40: {  	_ =	shalt  }
0x41: {  	_ =	shalt  }
0x42: {  	_ =	shalt  }
0x43: {  	_ =	shalt  }
0x44: {  	_ =	shalt  }
0x45: {  	_ =	shalt  }
0x46: {  	_ =	shalt  }
0x47: {  	_ =	shalt  }
0x48: {  	_ =	shalt  }
0x49: {  	_ =	shalt  }
0x4a: {  	_ =	shalt  }
0x4b: {  	_ =	shalt  }
0x4c: {  	_ =	shalt  }
0x4d: {  	_ =	shalt  }
0x4e: {  	_ =	shalt  }
0x4f: {  	_ =	shalt  }
0x50: {  	_ =	shalt  }
0x51: {  	_ =	shalt  }
0x52: {  	_ =	shalt  }
0x53: {  	_ =	shalt  }
0x54: {  	_ =	shalt  }
0x55: {  	_ =	shalt  }
0x56: {  	_ =	shalt  }
0x57: {  	_ =	shalt  }
0x58: {  	_ =	shalt  }
0x59: {  	_ =	shalt  }
0x5a: {  	_ =	shalt  }
0x5b: {  	_ =	shalt  }
0x5c: {  	_ =	shalt  }
0x5d: {  	_ =	shalt  }
0x5e: {  	_ =	shalt  }
0x5f: {  	_ =	shalt  }
0x60: {  	_ =	shalt  }
0x61: {  	_ =	shalt  }
0x62: {  	_ =	shalt  }
0x63: {  	_ =	shalt  }
0x64: {  	_ =	shalt  }
0x65: {  	_ =	shalt  }
0x66: {  	_ =	shalt  }
0x67: {  	_ =	shalt  }
0x68: {  	_ =	shalt  }
0x69: {  	_ =	shalt  }
0x6a: {  	_ =	shalt  }
0x6b: {  	_ =	shalt  }
0x6c: {  	_ =	shalt  }
0x6d: {  	_ =	shalt  }
0x6e: {  	_ =	shalt  }
0x6f: {  	_ =	shalt  }
0x70: {  	_ =	shalt  }
0x71: {  	_ =	shalt  }
0x72: {  	_ =	shalt  }
0x73: {  	_ =	shalt  }
0x74: {  	_ =	shalt  }
0x75: {  	_ =	shalt  }
0x76: {  	_ =	shalt  }
0x77: {  	_ =	shalt  }
0x78: {  	_ =	shalt  }
0x79: {  	_ =	shalt  }
0x7a: {  	_ =	shalt  }
0x7b: {  	_ =	shalt  }
0x7c: {  	_ =	shalt  }
0x7d: {  	_ =	shalt  }
0x7e: {  	_ =	shalt  }
0x7f: {  	_ =	shalt  }
0x80: {  	_ =	shalt  }
0x81: {  	_ =	shalt  }
0x82: {  	_ =	shalt  }
0x83: {  	_ =	shalt  }
0x84: {  	_ =	shalt  }
0x85: {  	_ =	shalt  }
0x86: {  	_ =	shalt  }
0x87: {  	_ =	shalt  }
.Lfunc_end0:
.L_simem_size_0:
called_computation.1_lowered:
.L_overlay_start_0:
0x88: {  	s2 =	sld [smem:$0x3FD9]  }
0x89: {  	s3 =	sld [smem:$0x3FFE];
	_ =	sdelay $0x1  }
0x8a: {  	s1 =	srdreg.scid  }
0x8b: {  	s0 =	sand.u32 $0x1, s1  }
0x8c: {  	s16 =	sshll.u32 s0, $0xA;
	s2 =	sadd.s32 s3, s2  }
0x8d: {  	s2 =	sadd.s32 s2, s16  }
0x8e: {  	[smem:$0x3FC6] =	sst s2  }
0x8f: {  	_ = 	snop  }
0x90: {  	(tm) =	ssettm $0x1  }
0x91: {  	s17 =	sld [smem:$0x3FFB];
	_ =	sdelay $0x3  }
0x92: {  	_ =	strace s17  }
0x93: {  	s2 =	sld [smem:$0x3FFC];
	_ =	sdelay $0x3  }
0x94: {  	_ =	strace s2  }
0x95: {  	s2 =	sld [smem:$0x3FFD];
	_ =	sdelay $0x3  }
0x96: {  	_ =	strace s2  }
0x97: {  	_ =	strace $0x8FFFFFFF  }
0x98: {  	s18 =	sld [smem:$0x3FDB];
	_ =	sdelay $0x1  }
0x99: {  	s19 =	simm.s32 $_scs_section_size  }
0x9a: {  	s4 =	simm.s32 $_size__tile_overlayer_lowered;
	s5 =	simm.s32 $_tile_overlayer_lowered  }
0x9b: {  	s22 =	simm.s32 $0x1BFF;
	s21 =	sshll.u32 s5, $0x1;
	s2 =	sadd.s32 s19, s18  }
0x9c: {  	s6 =	simm.s32 $0x0;
	s20 =	sshll.u32 s4, $0x1;
	s4 =	sadd.s32 s21, s2  }
0x9d: {  	[timem:s6], [sflag:s22] =	dma.local [hbm:s4], s20  }
0x9e: {  	_ =	swait.ge [sflag:s22], s20  }
0x9f: {  	s3 =	ssub.s32 $0x0, s20;
	[sflag:s22] =	ssyncset.done $0x0  }
0xa0: {  	[sflag:s22] =	ssyncadd.s32 s3;
	_ =	sdelay $0x1  }
0xa1: {  	s23 =	simm.s32 $0x1B8B  }
0xa2: {  	_ =	swait.ge [sflag:s23], $0x1  }
0xa3: {  	[sflag:s23] =	ssyncset.done $0x0  }
0xa4: {  	s25 =	simm.s32 $0x1B8E;
	s24 =	sld [smem:$0x3FFE];
	[sflag:s23] =	ssyncadd.s32 $0xFFFFFFFF  }
0xa5: {  	s26 =	simm.s32 $execute0_lowered;
	[smem:$0x3FD2] =	sst s25  }
0xa6: {  	s4 =	sshll.u32 s26, $0x1;
	_ =	strace $0x80000046;
	[dreg:$0x1] =	wrdreg $0xFFFFFFFF  }
0xa7: {  	s28 =	simm.s32 $_size_execute0_lowered;
	s2 =	sadd.s32 s2, s4;
	[dreg:$0x0] =	wrdreg $0x0  }
0xa8: {  	s4 =	sshll.u32 s28, $0x1;
	[dreg:$0x2] =	wrdreg s2  }
0xa9: {  	[dreg:$0x3] =	wrdreg s4  }
0xaa: {  	[dreg:$0x4] =	wrdreg $0xC0  }
0xab: {  	_ =	task [dreg:s6], $0x5FFFF  }
0xac: {  	[dreg:$0x1] =	wrdreg $0xFFFFFFFF  }
0xad: {  	[dreg:$0x0] =	wrdreg $0x60  }
0xae: {  	[dreg:$0x2] =	wrdreg s24  }
0xaf: {  	[dreg:$0x3] =	wrdreg $0x9  }
0xb0: {  	_ =	task.clear_ibuf [dreg:s6], $0x4FFFF;
	_ =	strace $0x90000046  }
0xb1: {  	s29 =	simm.s32 $0x9;
	_ =	strace $0x80000048  }
0xb2: {  	_ =	swait.ge [sflag:s29], $0x1  }
0xb3: {  	[sflag:s29] =	ssyncadd.s32 $0xFFFFFFFF  }
0xb4: {  	_ =	strace $0x90000048  }
0xb5: {  	_ =	sfence  }
0xb6: {  	s30 =	sld [smem:$0x0];
	_ =	sdelay $0x2  }
0xb7: {  	s31 =	sshll.u32 s1, $0xD;
	s1 =	sshrl.u32 s1, $0x2  }
0xb8: {  	s3 =	sand.u32 $0x4000, s31;
	s1 =	sadd.s32 s1, s30  }
0xb9: {  	s0 =	sor.u32 s3, s0;
	s1 =	sshll.u32 s1, $0x11  }
0xba: {  	s0 =	sor.u32 s1, s0  }
0xbb: {  	s0 =	sadd.s32 $0x8F2B, s0  }
0xbc: {  	[sflag:s0] =	ssyncadd.remote.s32 $0x1  }
0xbd: {  	_ =	sfence.sel $0xFFFF  }
0xbe: {  	[dreg:$0x0] =	wrdreg $0xFFFFFFFF;
	(pc) =	sbr.abs _section_cstart, $3  }
0xbf: {  	[dreg:$0x1] =	wrdreg $0xFFFFFFFF  }
0xc0: {  	_ =	task.clear_ibuf [dreg:s6], $0x2FFFF;
	_ =	strace $0x9FFFFFFF  }
0xc1: {  	(tm) =	ssettm $0x7FFFFFFF  }
tec
execute0_lowered:
.L_overlay_start_1:
0x0: {  	(tag) =	ssettag $0x1  }
0x1: {  	s0 =	srdreg.scid  }
0x2: {  	s7 =	stileid.u32;
	s4 =	rddreg [dreg:$0x0]  }
0x3: {  	s28 =	simm.s32 $0x0;
	s9 =	simm.s32 $0x80;
	s10 =	simm.s32 $0x6400  }
0x4: {  	s11 =	simm.s32 $0x48;
	s12 =	simm.s32 $0x1;
	s13 =	simm.s32 $0x40  }
0x5: {  	s22 =	simm.s32 $0x5;
	s23 =	simm.s32 $0x6;
	s24 =	simm.s32 $0x7  }
0x6: {  	s25 =	simm.s32 $0x8;
	s26 =	simm.s32 $0x0;
	s0 =	sand.u32 $0x1, s0  }
0x7: {  	s1 =	sshll.u32 s7, $0x8;
	[smem:$0x7FF] =	sst s28;
	s7 =	smul.u32 $0xC8000, s7  }
0x8: {  	s8 =	sadd.s32 $0xDCE00, s4;
	s2 =	sshll.u32 s0, $0x7;
	_ =	strace $0x80000047  }
0x9: {  	s6 =	ssub.s32 $0x2, s0;
	s0 =	smul.u32 $0x64000, s0;
	s1 =	sor.u32 s2, s1  }
0xa: {  	s29 =	sshrl.u32 s6, $0x1;
	s7 =	sadd.s32 s7, s8;
	s3 =	smul.u32 $0x19, s1  }
0xb: {  	s6 =	ssub.s32 s6, s29;
	s1 =	smul.u32 $0xC80, s1;
	s0 =	sadd.s32 s0, s7  }
0xc: {  	s31 =	smax.u32 s6, $0x1;
	s7 =	sadd.s32 $0x1900, s0;
	s5 =	sadd.s32 s3, s4  }
0xd: {  	s3 =	sadd.s32 $0x19800, s4;
	[dreg:$0x3] =	wrdreg s31;
	s30 =	sadd.s32 $0x800, s5  }
0xe: {  	s6 =	sadd.s32 s8, s1;
	s8 =	simm.s32 $0x9;
	[dreg:$0x2] =	wrdreg s30  }
.LBB2_1:
0xf: {  	s0 =	simm.s32 $0x0;
	s1 =	rddreg [dreg:$0x2]  }
0x10: {  	[tilespmem:s0], [sflag:$0x9] =	stream.linear.gather [hbm4b:s1+s0], $0x6400, $0x38;
	[tilespmem:$0x1F400] =	vst v63  }
0x11: {  	_ =	swait.ge [sflag:s8], $0x6400  }
0x12: {  	[sflag:s8] =	ssyncset.done $0x0  }
0x13: {  	[sflag:s8] =	ssyncadd.s32 $0xFFFF9C00  }
0x14: {  	[tilespmem:s10], [sflag:$0x1] =	stream.indirect.gather [hbm4b:s3+s9], $0x40, s0, s9, $0xb8;
	[tilespmem:$0x1F400] =	vst v63  }
0x15: {  	s15 =	simm.s32 $0x8400  }
0x16: {  	[tilespmem:s15], [sflag:$0x1] =	stream.indirect.gather [hbm4b:s3+s11], $0x40, s9, s11, $0xb8;
	[tilespmem:$0x1F400] =	vst v63  }
0x17: {  	s16 =	simm.s32 $0xC8;
	s17 =	simm.s32 $0x9600  }
0x18: {  	[tilespmem:s17], [sflag:$0x1] =	stream.indirect.gather [hbm4b:s3+s9], $0x40, s16, s9, $0xb8;
	[tilespmem:$0x1F400] =	vst v63  }
0x19: {  	s18 =	simm.s32 $0x148;
	s19 =	simm.s32 $0xB600  }
0x1a: {  	[tilespmem:s19], [sflag:$0x1] =	stream.indirect.gather [hbm4b:s3+s11], $0x40, s18, s11, $0xb8;
	[tilespmem:$0x1F400] =	vst v63  }
0x1b: {  	s20 =	simm.s32 $0x190;
	s21 =	simm.s32 $0xC800  }
0x1c: {  	[tilespmem:s21], [sflag:$0x2] =	stream.indirect.gather [hbm4b:s3+s9], $0x40, s20, s9, $0xb8;
	[tilespmem:$0x1F400] =	vst v63  }
0x1d: {  	s2 =	simm.s32 $0xE800;
	s1 =	simm.s32 $0x210  }
0x1e: {  	[tilespmem:s2], [sflag:$0x2] =	stream.indirect.gather [hbm4b:s3+s11], $0x40, s1, s11, $0xb8;
	[tilespmem:$0x1F400] =	vst v63  }
0x1f: {  	s4 =	simm.s32 $0x258;
	s5 =	simm.s32 $0xFA00  }
0x20: {  	[tilespmem:s5], [sflag:$0x2] =	stream.indirect.gather [hbm4b:s3+s9], $0x40, s4, s9, $0xb8;
	[tilespmem:$0x1F400] =	vst v63  }
0x21: {  	s14 =	simm.s32 $0x2D8;
	s15 =	simm.s32 $0x11A00  }
0x22: {  	[tilespmem:s15], [sflag:$0x2] =	stream.indirect.gather [hbm4b:s3+s11], $0x40, s14, s11, $0xb8;
	[tilespmem:$0x1F400] =	vst v63  }
0x23: {  	s16 =	simm.s32 $0x320;
	s17 =	simm.s32 $0x12C00  }
0x24: {  	[tilespmem:s17], [sflag:$0x3] =	stream.indirect.gather [hbm4b:s3+s9], $0x40, s16, s9, $0xb8;
	[tilespmem:$0x1F400] =	vst v63  }
0x25: {  	s18 =	simm.s32 $0x3A0;
	s19 =	simm.s32 $0x14C00  }
0x26: {  	[tilespmem:s19], [sflag:$0x3] =	stream.indirect.gather [hbm4b:s3+s11], $0x40, s18, s11, $0xb8;
	[tilespmem:$0x1F400] =	vst v63  }
0x27: {  	s20 =	simm.s32 $0x3E8;
	s21 =	simm.s32 $0x15E00  }
0x28: {  	[tilespmem:s21], [sflag:$0x3] =	stream.indirect.gather [hbm4b:s3+s9], $0x40, s20, s9, $0xb8;
	[tilespmem:$0x1F400] =	vst v63  }
0x29: {  	s1 =	simm.s32 $0x468;
	s2 =	simm.s32 $0x17E00  }
0x2a: {  	[tilespmem:s2], [sflag:$0x3] =	stream.indirect.gather [hbm4b:s3+s11], $0x40, s1, s11, $0xb8;
	[tilespmem:$0x1F400] =	vst v63  }
0x2b: {  	_ =	swait.ge [sflag:s12], $0x2000  }
0x2c: {  	[sflag:s12] =	ssyncset.done $0x0  }
0x2d: {  	[sflag:s12] =	ssyncadd.s32 $0xFFFFE000  }
0x2e: {  	_ =	swait.ge [sflag:s12], $0x1200  }
0x2f: {  	[sflag:s12] =	ssyncset.done $0x0  }
0x30: {  	[sflag:s12] =	ssyncadd.s32 $0xFFFFEE00  }
0x31: {  	_ =	swait.ge [sflag:s12], $0x2000  }
0x32: {  	[sflag:s12] =	ssyncset.done $0x0  }
0x33: {  	[sflag:s12] =	ssyncadd.s32 $0xFFFFE000  }
0x34: {  	_ =	swait.ge [sflag:s12], $0x1200  }
0x35: {  	[sflag:s12] =	ssyncset.done $0x0  }
0x36: {  	[sflag:s12] =	ssyncadd.s32 $0xFFFFEE00  }
0x37: {  	[hbm4b:s6+s13] =	stream.strided.scatter [tilespmem:s10], [sflag:$0x5], $0x6400, s9, s13, $0x38;
	[tilespmem:$0x1F400] =	vst v63  }
0x38: {  	s4 =	simm.s32 $0x4B0;
	s5 =	simm.s32 $0x19000  }
0x39: {  	[tilespmem:s5], [sflag:$0x4] =	stream.indirect.gather [hbm4b:s3+s9], $0x40, s4, s9, $0xb8;
	[tilespmem:$0x1F400] =	vst v63  }
0x3a: {  	s14 =	simm.s32 $0x530;
	s15 =	simm.s32 $0x1B000;
	s20 =	simm.s32 $0x1  }
0x3b: {  	[tilespmem:s15], [sflag:$0x4] =	stream.indirect.gather [hbm4b:s3+s11], $0x40, s14, s11, $0xb8;
	[tilespmem:$0x1F400] =	vst v63  }
0x3c: {  	s16 =	simm.s32 $0x578;
	s17 =	simm.s32 $0x1C200;
	s0 =	sand.u32 $0x3, s20  }
0x3d: {  	[tilespmem:s17], [sflag:$0x4] =	stream.indirect.gather [hbm4b:s3+s9], $0x40, s16, s9, $0xb8;
	[tilespmem:$0x1F400] =	vst v63  }
0x3e: {  	s18 =	simm.s32 $0x5F8;
	s19 =	simm.s32 $0x1E200;
	s14 =	sadd.s32 $0x1, s0  }
0x3f: {  	[tilespmem:s19], [sflag:$0x4] =	stream.indirect.gather [hbm4b:s3+s11], $0x40, s18, s11, $0xb8;
	[tilespmem:$0x1F400] =	vst v63  }
0x40: {  	_ =	swait.ge [sflag:s14], $0x2000  }
0x41: {  	[sflag:s14] =	ssyncset.done $0x0  }
0x42: {  	[sflag:s14] =	ssyncadd.s32 $0xFFFFE000  }
0x43: {  	_ =	swait.ge [sflag:s14], $0x1200  }
0x44: {  	s28 =	simm.s32 $0x640;
	s30 =	simm.s32 $0xC80;
	[sflag:s14] =	ssyncset.done $0x0  }
0x45: {  	s29 =	sadd.s32 $0x1900, s7;
	s21 =	smul.u32 $0x19000, s0;
	[sflag:s14] =	ssyncadd.s32 $0xFFFFEE00  }
0x46: {  	p0 =	por $0x0, $0x0;
	s31 =	simm.s32 $0x5;
	_ =	swait.ge [sflag:s14], $0x2000  }
0x47: {  	s1 =	sshrl.u32 s21, $0x2;
	s15 =	simm.s32 $0x4;
	[sflag:s14] =	ssyncset.done $0x0  }
0x48: {  	s0 =	sadd.s32 $0x5, s0;
	s17 =	sand.u32 @!p0 $0x3, s15;
	[sflag:s14] =	ssyncadd.s32 $0xFFFFE000  }
0x49: {  	s16 =	sadd.s32 $0x6400, s1;
	s19 =	smul.u32 @!p0 $0x19000, s17;
	_ =	swait.ge [sflag:s14], $0x1200  }
0x4a: {  	s1 =	simm.s32 @!p0 $0x80;
	s15 =	simm.s32 @!p0 $0x0;
	[sflag:s14] =	ssyncset.done $0x0  }
0x4b: {  	s18 =	sadd.s32 @!p0 $0x5, s17;
	s21 =	sshrl.u32 @!p0 s19, $0x2;
	[sflag:s14] =	ssyncadd.s32 $0xFFFFEE00  }
0x4c: {  	[hbm4b:s7+s13] =	stream.strided.scatter [tilespmem:s16], [sflag:s0], $0x6400, s9, s13, $0x38;
	[tilespmem:$0x1F400] =	vst v63  }
0x4d: {  	s19 =	simm.s32 @!p0 $0x708;
	s20 =	sadd.s32 @!p0 $0x8400, s21;
	_ =	swait.ge @!p0 [sflag:s18], $0x6400  }
0x4e: {  	s14 =	sadd.s32 @!p0 $0x1, s17;
	s17 =	sadd.s32 @!p0 $0x6400, s21;
	[sflag:s18] =	ssyncset.done @!p0 $0x0  }
0x4f: {  	s16 =	simm.s32 @!p0 $0x640;
	s0 =	simm.s32 @!p0 $0x48;
	[sflag:s18] =	ssyncadd.s32 @!p0 $0xFFFF9C00  }
0x50: {  	[tilespmem:s17], [sflag:s14] =	stream.indirect.gather @!p0 [hbm4b:s3+s1], $0x40, s16, s1, $0xb8;
	[tilespmem:$0x1F400] =	vst v63  }
0x51: {  	s18 =	simm.s32 @!p0 $0x6C0;
	s16 =	sadd.s32 @!p0 $0x9600, s21;
	s17 =	sadd.s32 @!p0 $0xB600, s21  }
.LBB2_2:
0x52: {  	s21 =	sadd.s32 $0xFFFFFFFD, s31;
	s15 =	sadd.s32 @!p0 $0x788, s15;
	s2 =	smov.u32 s28  }
0x53: {  	s28 =	smov.u32 s30;
	s30 =	sadd.s32 $0x640, s30;
	s4 =	smov.u32 s29  }
0x54: {  	[tilespmem:s20], [sflag:s14] =	stream.indirect.gather @!p0 [hbm4b:s3+s0], $0x40, s18, s0, $0xb8;
	[tilespmem:$0x1F400] =	vst v63  }
0x55: {  	p1 =	sne.s32 s30, $0x189C0;
	s18 =	sand.u32 $0x3, s21  }
0x56: {  	[tilespmem:s16], [sflag:s14] =	stream.indirect.gather @!p0 [hbm4b:s3+s1], $0x40, s19, s1, $0xb8;
	[tilespmem:$0x1F400] =	vst v63  }
0x57: {  	s16 =	sadd.s32 $0x1, s18;
	s1 =	smul.u32 $0x19000, s18  }
0x58: {  	[tilespmem:s17], [sflag:s14] =	stream.indirect.gather @!p0 [hbm4b:s3+s0], $0x40, s15, s0, $0xb8;
	[tilespmem:$0x1F400] =	vst v63  }
0x59: {  	_ =	swait.ge [sflag:s16], $0x2000  }
0x5a: {  	[sflag:s16] =	ssyncset.done $0x0  }
0x5b: {  	[sflag:s16] =	ssyncadd.s32 $0xFFFFE000  }
0x5c: {  	_ =	swait.ge [sflag:s16], $0x1200  }
0x5d: {  	[sflag:s16] =	ssyncset.done $0x0  }
0x5e: {  	[sflag:s16] =	ssyncadd.s32 $0xFFFFEE00  }
0x5f: {  	s29 =	sadd.s32 $0x1900, s29;
	s17 =	sadd.s32 $0x5, s18;
	_ =	swait.ge [sflag:s16], $0x2000  }
0x60: {  	s0 =	sshrl.u32 s1, $0x2;
	p0 =	sgt.u32 s21, $0x3C;
	[sflag:s16] =	ssyncset.done $0x0  }
0x61: {  	s18 =	sadd.s32 $0x6400, s0;
	s1 =	simm.s32 @!p0 $0x80;
	[sflag:s16] =	ssyncadd.s32 $0xFFFFE000  }
0x62: {  	s14 =	sand.u32 @!p0 $0x3, s31;
	s15 =	sshra.s32 @!p0 s2, $0x2;
	_ =	swait.ge [sflag:s16], $0x1200  }
0x63: {  	s2 =	sadd.s32 @!p0 $0x5, s14;
	s19 =	smul.u32 @!p0 $0x19000, s14;
	[sflag:s16] =	ssyncset.done $0x0  }
0x64: {  	s0 =	simm.s32 @!p0 $0x48;
	s21 =	sadd.s32 @!p0 $0x640, s15;
	[sflag:s16] =	ssyncadd.s32 $0xFFFFEE00  }
0x65: {  	s31 =	sadd.s32 $0x1, s31;
	s14 =	sadd.s32 @!p0 $0x1, s14;
	s5 =	sshrl.u32 @!p0 s19, $0x2  }
0x66: {  	[hbm4b:s4+s13] =	stream.strided.scatter [tilespmem:s18], [sflag:s17], $0x6400, s9, s13, $0x38;
	[tilespmem:$0x1F400] =	vst v63  }
.Ltmp0:
0x67: {  	_ = 	snop;
	(pc) =	sbr.rel @p1 .LBB2_2-.Ltmp0, $4  }
0x68: {  	s16 =	sadd.s32 @!p0 $0x9600, s5;
	s18 =	sadd.s32 @!p0 $0x6C0, s15;
	_ =	swait.ge @!p0 [sflag:s2], $0x6400  }
0x69: {  	s20 =	sadd.s32 @!p0 $0x8400, s5;
	s4 =	sadd.s32 @!p0 $0x6400, s5;
	[sflag:s2] =	ssyncset.done @!p0 $0x0  }
0x6a: {  	s19 =	sadd.s32 @!p0 $0x708, s15;
	s17 =	sadd.s32 @!p0 $0xB600, s5;
	[sflag:s2] =	ssyncadd.s32 @!p0 $0xFFFF9C00  }
0x6b: {  	[tilespmem:s4], [sflag:s14] =	stream.indirect.gather @!p0 [hbm4b:s3+s1], $0x40, s21, s1, $0xb8;
	[tilespmem:$0x1F400] =	vst v63  }
0x6c: {  	s2 =	sadd.s32 $0xFFFFFFFD, s31  }
0x6d: {  	[tilespmem:s20], [sflag:s14] =	stream.indirect.gather @!p0 [hbm4b:s3+s0], $0x40, s18, s0, $0xb8;
	[tilespmem:$0x1F400] =	vst v63  }
0x6e: {  	s4 =	sand.u32 $0x3, s2  }
0x6f: {  	[tilespmem:s16], [sflag:s14] =	stream.indirect.gather @!p0 [hbm4b:s3+s1], $0x40, s19, s1, $0xb8;
	[tilespmem:$0x1F400] =	vst v63  }
0x70: {  	s1 =	sadd.s32 @!p0 $0x788, s15;
	s5 =	sadd.s32 $0x1, s4  }
0x71: {  	[tilespmem:s17], [sflag:s14] =	stream.indirect.gather @!p0 [hbm4b:s3+s0], $0x40, s1, s0, $0xb8;
	[tilespmem:$0x1F400] =	vst v63  }
0x72: {  	_ =	swait.ge [sflag:s5], $0x2000  }
0x73: {  	[sflag:s5] =	ssyncset.done $0x0  }
0x74: {  	[sflag:s5] =	ssyncadd.s32 $0xFFFFE000  }
0x75: {  	_ =	swait.ge [sflag:s5], $0x1200  }
0x76: {  	[sflag:s5] =	ssyncset.done $0x0  }
0x77: {  	[sflag:s5] =	ssyncadd.s32 $0xFFFFEE00  }
0x78: {  	_ =	swait.ge [sflag:s5], $0x2000  }
0x79: {  	s21 =	smul.u32 $0x19000, s4;
	[sflag:s5] =	ssyncset.done $0x0  }
0x7a: {  	s30 =	sadd.s32 $0x5, s4;
	[sflag:s5] =	ssyncadd.s32 $0xFFFFE000  }
0x7b: {  	s0 =	sshrl.u32 s21, $0x2;
	p0 =	sgt.u32 s2, $0x3C;
	_ =	swait.ge [sflag:s5], $0x1200  }
0x7c: {  	s0 =	sadd.s32 $0x6400, s0;
	s2 =	sand.u32 @!p0 $0x3, s31;
	[sflag:s5] =	ssyncset.done $0x0  }
0x7d: {  	s4 =	sadd.s32 @!p0 $0x5, s2;
	s14 =	smul.u32 @!p0 $0x19000, s2;
	[sflag:s5] =	ssyncadd.s32 $0xFFFFEE00  }
0x7e: {  	[hbm4b:s29+s13] =	stream.strided.scatter [tilespmem:s0], [sflag:s30], $0x6400, s9, s13, $0x38;
	[tilespmem:$0x1F400] =	vst v63  }
0x7f: {  	s1 =	sshra.s32 @!p0 s28, $0x2;
	s14 =	sshrl.u32 @!p0 s14, $0x2;
	_ =	swait.ge @!p0 [sflag:s4], $0x6400  }
0x80: {  	s2 =	sadd.s32 @!p0 $0x1, s2;
	s15 =	sadd.s32 @!p0 $0x6400, s14;
	[sflag:s4] =	ssyncset.done @!p0 $0x0  }
0x81: {  	s5 =	sadd.s32 @!p0 $0x640, s1;
	s0 =	simm.s32 @!p0 $0x80;
	[sflag:s4] =	ssyncadd.s32 @!p0 $0xFFFF9C00  }
0x82: {  	[tilespmem:s15], [sflag:s2] =	stream.indirect.gather @!p0 [hbm4b:s3+s0], $0x40, s5, s0, $0xb8;
	[tilespmem:$0x1F400] =	vst v63  }
0x83: {  	s4 =	simm.s32 @!p0 $0x48;
	s5 =	sadd.s32 @!p0 $0x6C0, s1;
	s15 =	sadd.s32 @!p0 $0x8400, s14  }
0x84: {  	[tilespmem:s15], [sflag:s2] =	stream.indirect.gather @!p0 [hbm4b:s3+s4], $0x40, s5, s4, $0xb8;
	[tilespmem:$0x1F400] =	vst v63  }
0x85: {  	s5 =	sadd.s32 @!p0 $0x9600, s14;
	s15 =	sadd.s32 @!p0 $0x708, s1  }
0x86: {  	[tilespmem:s5], [sflag:s2] =	stream.indirect.gather @!p0 [hbm4b:s3+s0], $0x40, s15, s0, $0xb8;
	[tilespmem:$0x1F400] =	vst v63  }
0x87: {  	s1 =	sadd.s32 @!p0 $0x788, s1;
	s0 =	sadd.s32 @!p0 $0xB600, s14  }
0x88: {  	[tilespmem:s0], [sflag:s2] =	stream.indirect.gather @!p0 [hbm4b:s3+s4], $0x40, s1, s4, $0xb8;
	[tilespmem:$0x1F400] =	vst v63  }
0x89: {  	_ =	swait.ge [sflag:s22], $0x6400  }
0x8a: {  	[sflag:s22] =	ssyncset.done $0x0  }
0x8b: {  	[sflag:s22] =	ssyncadd.s32 $0xFFFF9C00  }
0x8c: {  	_ =	swait.ge [sflag:s23], $0x6400  }
0x8d: {  	[sflag:s23] =	ssyncset.done $0x0  }
0x8e: {  	[sflag:s23] =	ssyncadd.s32 $0xFFFF9C00  }
0x8f: {  	_ =	swait.ge [sflag:s24], $0x6400  }
0x90: {  	[sflag:s24] =	ssyncset.done $0x0  }
0x91: {  	[sflag:s24] =	ssyncadd.s32 $0xFFFF9C00  }
0x92: {  	_ =	swait.ge [sflag:s25], $0x6400  }
0x93: {  	s26 =	sadd.s32 $0x1, s26;
	s31 =	rddreg [dreg:$0x3]  }
0x94: {  	p0 =	sne.s32 s26, s31  }
.Ltmp1:
0x95: {  	_ = 	snop;
	(pc) =	sbr.rel @p0 .LBB2_1-.Ltmp1, $3  }
0x96: {  	_ =	sdelay $0x1  }
0x97: {  	[sflag:s25] =	ssyncset.done $0x0  }
0x98: {  	[sflag:s25] =	ssyncadd.s32 $0xFFFF9C00  }
0x99: {  	_ =	sfence.sel $0x180000  }
0x9a: {  	[bflag:$0x0] =	sbarrier.arrive $0xFFFF  }
0x9b: {  	_ =	strace $0x90000047  }
0x9c: {  	s0 =	stileid.u32;
	[bflag:$0x2] =	sbarrier.arrive $0xFFFF  }
0x9d: {  	p0 =	sne.s32 s0, $0x0;
	s0 =	rddreg [dreg:$0x1]  }
0x9e: {  	s0 =	sadd.s32 @!p0 $0x100000, s0  }
0x9f: {  	[sflag:s0] =	ssyncadd.tile.s32 @!p0 $0x1;
	_ =	shalt  }
.Lfunc_end2:
_tile_overlayer_lowered:
.L_overlay_start_2:
0xa0: {  	(tag) =	ssettag $0x2  }
0xa1: {  	s0 =	rddreg [dreg:$0x0];
	s2 =	stileid.u32  }
0xa2: {  	s1 =	rddreg [dreg:$0x1];
	p0 =	sne.s32 s2, $0x0  }
0xa3: {  	s3 =	rddreg [dreg:$0x2];
	[bflag:$0x3] =	sbarrier.arrive $0xFFFF;
	s2 =	simm.s32 @!p0 $0x1C09  }
0xa4: {  	[timem:s3], [sflag:s2] =	dma.local @!p0 [hbm:s0], s1  }
0xa5: {  	s0 =	simm.s32 @!p0 $0x9  }
0xa6: {  	_ =	swait.ge @!p0 [sflag:s0], s1  }
0xa7: {  	s1 =	ssub.s32 @!p0 $0x0, s1;
	[sflag:s0] =	ssyncset.done @!p0 $0x0  }
0xa8: {  	[sflag:s0] =	ssyncadd.s32 @!p0 s1  }
0xa9: {  	[bflag:$0x3] =	sbarrier.arrive $0xFFFF  }
0xaa: {  	_ =	shalt  }

// kernel: sparse-core-data-format-call.cloned.1.call-start
scs
called_computation_lowered:
.L_overlay_start_0:
0x0: {  	s2 =	sld [smem:$0x3FD9]  }
0x1: {  	s3 =	sld [smem:$0x3FFE];
	_ =	sdelay $0x1  }
0x2: {  	s1 =	srdreg.scid  }
0x3: {  	s0 =	sand.u32 $0x1, s1  }
0x4: {  	s18 =	sshll.u32 s0, $0xA;
	s2 =	sadd.s32 s3, s2  }
0x5: {  	s2 =	sadd.s32 s2, s18  }
0x6: {  	[smem:$0x3FC6] =	sst s2  }
0x7: {  	_ = 	snop  }
0x8: {  	s2 =	sld [smem:$0x3FD0];
	(tm) =	ssettm $0x1  }
0x9: {  	s19 =	sld [smem:$0x3FFB];
	_ =	sdelay $0x3  }
0xa: {  	_ =	strace s19  }
0xb: {  	s3 =	sld [smem:$0x3FFC];
	_ =	sdelay $0x3  }
0xc: {  	_ =	strace s3  }
0xd: {  	s3 =	sld [smem:$0x3FFD];
	_ =	sdelay $0x3  }
0xe: {  	_ =	strace s3  }
0xf: {  	_ =	strace $0x8FFFFFFF  }
0x10: {  	s20 =	sld [smem:$0x3FDB];
	_ =	sdelay $0x1  }
0x11: {  	s4 =	simm.s32 $_scs_section_size  }
0x12: {  	s5 =	simm.s32 $_size__tile_overlayer_lowered;
	s6 =	simm.s32 $_tile_overlayer_lowered  }
0x13: {  	s23 =	simm.s32 $0x1BFF;
	s22 =	sshll.u32 s6, $0x1;
	s3 =	sadd.s32 s4, s20  }
0x14: {  	s7 =	simm.s32 $0x0;
	s21 =	sshll.u32 s5, $0x1;
	s5 =	sadd.s32 s22, s3  }
0x15: {  	[timem:s7], [sflag:s23] =	dma.local [hbm:s5], s21  }
0x16: {  	_ =	swait.ge [sflag:s23], s21  }
0x17: {  	s4 =	ssub.s32 $0x0, s21;
	[sflag:s23] =	ssyncset.done $0x0  }
0x18: {  	[sflag:s23] =	ssyncadd.s32 s4;
	_ =	sdelay $0x1  }
0x19: {  	s24 =	simm.s32 $0x1B8B  }
0x1a: {  	_ =	swait.ge [sflag:s24], $0x1  }
0x1b: {  	[sflag:s24] =	ssyncset.done $0x0  }
0x1c: {  	s26 =	simm.s32 $0x1B8E;
	s25 =	sld [smem:$0x3FFE];
	[sflag:s24] =	ssyncadd.s32 $0xFFFFFFFF  }
0x1d: {  	s27 =	simm.s32 $execute0_lowered;
	[smem:$0x3FD2] =	sst s26  }
0x1e: {  	s5 =	sshll.u32 s27, $0x1;
	_ =	strace $0x80000049;
	[dreg:$0x1] =	wrdreg $0xFFFFFFFF  }
0x1f: {  	s28 =	simm.s32 $_size_execute0_lowered;
	s3 =	sadd.s32 s3, s5;
	[dreg:$0x0] =	wrdreg $0x0  }
0x20: {  	s5 =	sshll.u32 s28, $0x1;
	[dreg:$0x2] =	wrdreg s3  }
0x21: {  	[dreg:$0x3] =	wrdreg s5  }
0x22: {  	[dreg:$0x4] =	wrdreg $0xC0  }
0x23: {  	_ =	task [dreg:s7], $0x5FFFF  }
0x24: {  	[dreg:$0x1] =	wrdreg $0xFFFFFFFF  }
0x25: {  	[dreg:$0x0] =	wrdreg $0x60  }
0x26: {  	[dreg:$0x2] =	wrdreg s25  }
0x27: {  	[dreg:$0x3] =	wrdreg s2  }
0x28: {  	[dreg:$0x4] =	wrdreg $0x9  }
0x29: {  	_ =	task.clear_ibuf [dreg:s7], $0x5FFFF;
	_ =	strace $0x90000049  }
0x2a: {  	s29 =	simm.s32 $0x9;
	_ =	strace $0x8000004B  }
0x2b: {  	_ =	swait.ge [sflag:s29], $0x1  }
0x2c: {  	[sflag:s29] =	ssyncadd.s32 $0xFFFFFFFF  }
0x2d: {  	_ =	strace $0x9000004B  }
0x2e: {  	_ =	sfence  }
0x2f: {  	s30 =	sld [smem:$0x0];
	_ =	sdelay $0x2  }
0x30: {  	s31 =	sshll.u32 s1, $0xD;
	s1 =	sshrl.u32 s1, $0x2  }
0x31: {  	s3 =	sand.u32 $0x4000, s31;
	s1 =	sadd.s32 s1, s30  }
0x32: {  	s0 =	sor.u32 s3, s0;
	s1 =	sshll.u32 s1, $0x11  }
0x33: {  	s0 =	sor.u32 s1, s0  }
0x34: {  	s0 =	sadd.s32 $0x8F2B, s0  }
0x35: {  	[sflag:s0] =	ssyncadd.remote.s32 $0x1  }
0x36: {  	_ =	sfence.sel $0xFFFF  }
0x37: {  	[dreg:$0x0] =	wrdreg $0xFFFFFFFF;
	(pc) =	sbr.abs _section_cstart, $3  }
0x38: {  	[dreg:$0x1] =	wrdreg $0xFFFFFFFF  }
0x39: {  	_ =	task.clear_ibuf [dreg:s7], $0x2FFFF;
	_ =	strace $0x9FFFFFFF  }
0x3a: {  	(tm) =	ssettm $0x7FFFFFFF  }
0x3b: {  	_ =	shalt  }
tec
execute0_lowered:
.L_overlay_start_1:
0x0: {  	(tag) =	ssettag $0x1  }
0x1: {  	s0 =	srdreg.scid  }
0x2: {  	s1 =	sshll.u32 s0, $0x4  }
0x3: {  	s0 =	stileid.u32;
	s1 =	sand.u32 $0x10, s1  }
0x4: {  	s1 =	sor.u32 s0, s1  }
0x5: {  	s6 =	rddreg [dreg:$0x0];
	s4 =	simm.s32 $0x1;
	s2 =	sshll.u32 s1, $0x7  }
0x6: {  	s7 =	simm.s32 $0x2;
	s12 =	simm.s32 $0x0;
	s1 =	ssub.s32 $0x1000, s2  }
0x7: {  	s8 =	simm.s32 $0x8000;
	s13 =	simm.s32 $0x0;
	s3 =	sand.u32 $0xF80, s1  }
0x8: {  	s9 =	simm.s32 $0x0;
	s5 =	sshrl.u32 s1, $0xC;
	p0 =	sne.s32 s3, $0x0  }
.Ltmp0:
0x9: {  	s1 =	rddreg [dreg:$0x2];
	s4 =	simm.s32 @!p0 $0x0;
	(pc) =	sbr.rel .LBB1_1-.Ltmp0, $4  }
0xa: {  	s11 =	simm.s32 $0x0;
	s3 =	rddreg [dreg:$0x1];
	s5 =	sadd.s32 s4, s5  }
0xb: {  	_ =	strace $0x8000004A;
	s4 =	simm.s32 $0x1;
	s5 =	smul.u32 $0xC8, s5  }
0xc: {  	s6 =	sadd.s32 $0xDCE00, s6;
	s10 =	smov.u32 s2;
	[sflag:s4] =	ssyncpa.u1 $0x0  }
0xd: {  	p0 =	por $0x0, $0x0;
	[sflag:s7] =	ssyncpa.u1 $0x0;
	s7 =	sor.u32 $0x1, s5  }
.LBB1_4:
0xe: {  	s16 =	sshll.u32 s13, $0x3;
	s17 =	sand.u32 $0x78, s13  }
0xf: {  	s30 =	sand.u32 $0x7E00, s13;
	s12 =	sshll.u32 s12, $0xF;
	s16 =	sand.u32 $0xC00, s16  }
0x10: {  	[tilespmem:s15+$0x810 ss:$0x81] =	vst.msk $0xffff, v2;
	s31 =	sand.u32 $0x7, s13;
	s16 =	sor.u32 s17, s16;
	s17 =	sadd.s32 s3, s30  }
0x11: {  	[tilespmem:s15+$0x1020 ss:$0x81] =	vst.msk $0xffff, v0;
	s13 =	sshll.u32 s31, $0x12;
	s12 =	sadd.s32 s12, s17;
	s16 =	sshrl.u32 s16, $0x3  }
0x12: {  	[tilespmem:s15+$0x0 ss:$0x81] =	vst.msk $0xffff, v1;
	s13 =	sor.u32 $0x400, s13;
	s12 =	sadd.s32 s16, s12  }
0x13: {  	[hbm4b:s12+s13] =	stream.strided.scatter [tilespmem:s14], [sflag:$0x2], $0x2000, s8, s13, $0x20;
	[tilespmem:$0x8080] =	vst v63  }
.LBB1_5:
0x14: {  	s14 =	sadd.s32 $0x1, s9  }
0x15: {  	s12 =	sadd.s32 $0x1000, s10;
	s16 =	smov.u32 s10;
	p2 =	sgt.s32 s14, $0xC7  }
0x16: {  	s16 =	smov.u32 @p2 s12  }
0x17: {  	s14 =	simm.s32 @p2 $0x0;
	p2 =	sgt.s32 s16, $0xFFF  }
0x18: {  	s16 =	smov.u32 @p2 s2;
	p2 =	sne.s32 s11, s7  }
.Ltmp1:
0x19: {  	p1 =	slt.u32 s11, $0x2;
	(pc) =	sbr.rel @!p2 .LBB1_6-.Ltmp1, $4  }
0x1a: {  	s15 =	simm.s32 @!p1 $0x2  }
0x1b: {  	s13 =	smov.u32 s10;
	p0 =	por !p0, !p0;
	_ =	swait.ge @!p1 [sflag:s15], $0x2000  }
0x1c: {  	s12 =	smov.u32 s9;
	[sflag:s15] =	ssyncset.done @!p1 $0x0;
	s9 =	smov.u32 s14  }
0x1d: {  	s11 =	sadd.s32 $0x1, s11;
	[sflag:s15] =	ssyncadd.s32 @!p1 $0xFFFFE000;
	s10 =	smov.u32 s16  }
.LBB1_1:
0x1e: {  	p1 =	sge.u32 s11, s5  }
0x1f: {  	s14 =	sand.u32 @!p1 $0x1FFFFFF, s9  }
0x20: {  	s15 =	smulhi.u32 @!p1 $0x147AE15, s14;
	_ =	sdelay $0x1  }
0x21: {  	s15 =	smul.u32 @!p1 $0xC8, s15  }
0x22: {  	s16 =	sxor.u32 @!p1 $0xFFFFFFFF, s11;
	s17 =	smul.u32 @!p1 $0xC80, s10  }
0x23: {  	s31 =	sadd.s32 $0xFFFFFFFF, s11;
	s16 =	sshll.u32 @!p1 s16, $0xD;
	s14 =	ssub.s32 @!p1 s14, s15  }
0x24: {  	s15 =	sand.u32 @!p1 $0x2000, s16;
	s16 =	sadd.s32 @!p1 s6, s17;
	s14 =	sshll.u32 @!p1 s14, $0x4  }
0x25: {  	s17 =	simm.s32 @!p1 $0x6400;
	s14 =	sadd.s32 @!p1 s14, s16;
	s16 =	simm.s32 @!p1 $0x40  }
0x26: {  	[tilespmem:s15], [sflag:$0x1] =	stream.strided.gather @!p1 [hbm4b:s14+s16], $0x2000, s17, s16, $0x38;
	[tilespmem:$0x8080] =	vst v63  }
0x27: {  	p1 =	sge.u32 s31, s5  }
.Ltmp2:
0x28: {  	_ = 	snop;
	(pc) =	sbr.rel @p1 .LBB1_5-.Ltmp2, $1  }
0x29: {  	_ =	sdelay $0x3  }
0x2a: {  	s14 =	simm.s32 $0x1  }
0x2b: {  	_ =	swait.ge [sflag:s4], $0x2000;
	s14 =	simm.s32 @!p0 $0x0  }
0x2c: {  	[sflag:s4] =	ssyncset.done $0x0;
	s15 =	sshll.u32 s14, $0xD  }
0x2d: {  	[sflag:s4] =	ssyncadd.s32 $0xFFFFE000;
	s18 =	sor.u32 $0x20, s15  }
0x2e: {  	s14 =	smul.u32 $0x8100, s14;
	v3 =	vld [tilespmem:s18+$0x10]  }
0x2f: {  	s30 =	sand.u32 $0x1, s11;
	v2 =	vld [tilespmem:s18+$0xFFFFFFF0]  }
0x30: {  	s15 =	smul.u32 $0x8100, s30;
	s14 =	sshrl.u32 s14, $0x2;
	v0 =	vld [tilespmem:s18+$0x0]  }
0x31: {  	v1 =	vld [tilespmem:s18+$0xFFFFFFE0];
	s16 =	sor.u32 $0x4000, s14  }
0x32: {  	s31 =	sshrl.u32 s15, $0x2;
	s15 =	sadd.s32 $0x0, s16  }
0x33: {  	s17 =	simm.s32 $0x4;
	s18 =	sadd.s32 $0x40, s18;
	s14 =	sor.u32 $0x4000, s31;
	[tilespmem:s15+$0x1830 ss:$0x81] =	vst.msk $0xffff, v3  }
.LBB1_3:
0x34: {  	v3 =	vld [tilespmem:s18+$0x10];
	p1 =	sne.s32 s17, $0x1FC;
	[tilespmem:s15+$0x810 ss:$0x81] =	vst.msk $0xffff, v2;
	s19 =	smov.u32 s17;
	s17 =	sadd.s32 $0x4, s17  }
.Ltmp3:
0x35: {  	v2 =	vld [tilespmem:s18+$0xFFFFFFF0];
	[tilespmem:s15+$0x1020 ss:$0x81] =	vst.msk $0xffff, v0;
	(pc) =	sbr.rel @p1 .LBB1_3-.Ltmp3, $4  }
0x36: {  	v0 =	vld [tilespmem:s18+$0x0];
	[tilespmem:s15+$0x0 ss:$0x81] =	vst.msk $0xffff, v1  }
0x37: {  	s15 =	sshra.s32 s19, $0x2;
	v1 =	vld [tilespmem:s18+$0xFFFFFFE0]  }
0x38: {  	s15 =	sadd.s32 s15, s16  }
0x39: {  	s18 =	sadd.s32 $0x40, s18;
	[tilespmem:s15+$0x1830 ss:$0x81] =	vst.msk $0xffff, v3  }
.Ltmp4:
0x3a: {  	_ = 	snop;
	(pc) =	sbr.rel .LBB1_4-.Ltmp4, $1  }
0x3b: {  	_ =	sdelay $0x3  }
.LBB1_6:
0x3c: {  	_ =	sfence.sel $0x180000  }
0x3d: {  	s2 =	simm.s32 $0x1;
	[bflag:$0x0] =	sbarrier.arrive $0xFFFF  }
0x3e: {  	s31 =	simm.s32 $0x2;
	[sflag:s2] =	ssyncpa.u1 $0x1  }
0x3f: {  	[sflag:s31] =	ssyncpa.u1 $0x1  }
0x40: {  	p0 =	sne.s32 s0, $0x0;
	_ =	strace $0x9000004A  }
0x41: {  	s0 =	sadd.s32 @!p0 $0x100000, s1;
	[bflag:$0x2] =	sbarrier.arrive $0xFFFF  }
0x42: {  	[sflag:s0] =	ssyncadd.tile.s32 @!p0 $0x1;
	_ =	shalt  }
.Lfunc_end1:
_tile_overlayer_lowered:
.L_overlay_start_2:
0x43: {  	(tag) =	ssettag $0x2  }
0x44: {  	s0 =	rddreg [dreg:$0x0];
	s2 =	stileid.u32  }
0x45: {  	s1 =	rddreg [dreg:$0x1];
	p0 =	sne.s32 s2, $0x0  }
0x46: {  	s3 =	rddreg [dreg:$0x2];
	[bflag:$0x3] =	sbarrier.arrive $0xFFFF;
	s2 =	simm.s32 @!p0 $0x1C01  }
0x47: {  	[timem:s3], [sflag:s2] =	dma.local @!p0 [hbm:s0], s1  }
0x48: {  	s0 =	simm.s32 @!p0 $0x1  }
0x49: {  	_ =	swait.ge @!p0 [sflag:s0], s1  }
0x4a: {  	s1 =	ssub.s32 @!p0 $0x0, s1;
	[sflag:s0] =	ssyncset.done @!p0 $0x0  }
0x4b: {  	[sflag:s0] =	ssyncadd.s32 @!p0 s1  }
0x4c: {  	[bflag:$0x3] =	sbarrier.arrive $0xFFFF  }
0x4d: {  	_ =	shalt  }

</sc_bundles>
